<compile_context>
chip_gen: v7x
topology: tpu7x:2x2x1
jax: 0.10.2.dev20260603
libtpu: 0.0.44.dev20260713+nightly
codegen_flags: <defaults>
</compile_context>

<pallas_src>
import functools

import jax
import jax.numpy as jnp
from jax import lax
from jax.experimental import pallas as pl
from jax.experimental.pallas import tpu as pltpu
from jax.experimental.pallas import tpu_sc as plsc

SEQ = 2048
EMB = 128
NTYP = 2
LANES = 16

NC, NS = 2, 16
NW = NC * NS
CH = 128
NBUF = 6


def _comb_body(pos_ref, type_ref, out_ref):
    out_ref[...] = pos_ref[...][None, :, :] + type_ref[...][:, None, :]


def _build_comb(pos_table, type_table):
    comb = pl.pallas_call(
        _comb_body,
        out_shape=jax.ShapeDtypeStruct((NTYP, SEQ, EMB), jnp.float32),
    )(pos_table, type_table)
    return comb.reshape(NTYP * SEQ, EMB)


def _make_sc_embed(batch, seq):
    rows = batch * seq
    rpw = rows // NW
    nch = rpw // CH
    mesh = plsc.VectorSubcoreMesh(core_axis_name="c", subcore_axis_name="s")

    @functools.partial(
        pl.kernel,
        out_type=jax.ShapeDtypeStruct((batch, seq, EMB), jnp.float32),
        mesh=mesh,
        scratch_types=[
            pltpu.VMEM((rpw,), jnp.int32),
            pltpu.VMEM((rpw,), jnp.int32),
            pltpu.VMEM((NBUF, CH, EMB), jnp.float32),
            pltpu.VMEM_SHARED((NTYP * (SEQ // NC), EMB), jnp.float32),
            pltpu.SemaphoreType.DMA,
            pltpu.SemaphoreType.DMA((NBUF,)),
            pltpu.SemaphoreType.DMA((NBUF,)),
            pltpu.SemaphoreType.DMA((NBUF,)),
        ],
    )
    def sc_embed(tok_hbm, typ_hbm, word_hbm, comb_hbm, out_hbm,
                 tok_v, cidx_v, buf, shared, sem_g, sem_c, sem_w, sem_s):
        wid = lax.axis_index("s") * NC + lax.axis_index("c")
        sid = lax.axis_index("s")
        b = wid // (seq // rpw)
        soff = pl.multiple_of(
            lax.rem(wid, seq // rpw) * rpw, CH)

        core = lax.axis_index("c")
        stage = [
            pltpu.make_async_copy(
                comb_hbm.at[t * NC + core],
                shared.at[pl.ds(t * rpw, rpw)], sem_g)
            for t in range(NTYP)
        ]

        @pl.when(sid == 0)
        def _():
            for d in stage:
                d.start()

        pltpu.sync_copy(tok_hbm.at[b, pl.ds(soff, rpw)], tok_v)

        combs, words, stores = {}, {}, {}

        def start_word(j):
            slot = j % NBUF
            words[j] = pltpu.async_copy(
                word_hbm.at[tok_v.at[pl.ds(j * CH, CH)]],
                buf.at[slot], sem_w.at[slot])

        def start_store(j):
            slot = j % NBUF
            combs.pop(j).wait()
            stores[j] = pltpu.async_copy(
                buf.at[slot], out_hbm.at[b, pl.ds(soff + j * CH, CH)],
                sem_s.at[slot])

        for j in range(min(NBUF, nch)):
            start_word(j)

        pltpu.sync_copy(typ_hbm.at[b, pl.ds(soff, rpw)], cidx_v)

        def cix(v, carry):
            sl = pl.ds(v * LANES, LANES)
            s_vec = lax.iota(jnp.int32, LANES) + v * LANES
            cidx_v[sl] = cidx_v[sl] * rpw + s_vec
            return carry

        lax.fori_loop(0, rpw // LANES, cix, 0)

        @pl.when(sid == 0)
        def _():
            for d in stage:
                d.wait()

        plsc.subcore_barrier()

        for j in range(nch):
            slot = j % NBUF
            words.pop(j).wait()
            combs[j] = pltpu.async_copy(
                shared.at[cidx_v.at[pl.ds(j * CH, CH)]],
                buf.at[slot], sem_c.at[slot], add=True)
            if j >= 2:
                start_store(j - 2)
            if j >= 3 and j - 3 + NBUF < nch:
                stores.pop(j - 3).wait()
                start_word(j - 3 + NBUF)

        for j in sorted(combs):
            start_store(j)
        for j in sorted(stores):
            stores.pop(j).wait()

    return sc_embed


def kernel(input_tokens, input_token_types, word_table, pos_table, type_table):
    batch, seq = input_tokens.shape
    comb = _build_comb(pos_table, type_table)
    rpw = batch * seq // NW
    comb = comb.reshape(NTYP * NC, rpw, EMB)
    return _make_sc_embed(batch, seq)(
        input_tokens, input_token_types, word_table, comb)

# --- scband reference (transcript-rebuilt; emitter-appended) ---
"""Pipeline reference for scband-bert-embedding-layer-10977936409097 (READ-ONLY COPY).

The authoritative reference and input builder live on the scoring server;
editing this copy changes nothing except your own understanding.
"""

import jax, jax.numpy as jnp
import numpy as np

VOCAB = 100000
SEQ_LEN = 2048
EMB = 128
NUM_TYPES = 2
BATCH = 16

def setup_inputs(seed: int = 0) -> dict:
    key = jax.random.key(seed)
    k1, k2, k3, k4, k5 = jax.random.split(key, 5)
    input_tokens = jax.random.randint(k1, (BATCH, SEQ_LEN), 0, VOCAB, dtype=jnp.int64 if jax.config.jax_enable_x64 else jnp.int32)
    input_token_types = jax.random.randint(k2, (BATCH, SEQ_LEN), 0, NUM_TYPES, dtype=jnp.int64 if jax.config.jax_enable_x64 else jnp.int32)
    word_table = jax.random.normal(k3, (VOCAB, EMB), dtype=jnp.float32) * 0.02
    pos_table = jax.random.normal(k4, (SEQ_LEN, EMB), dtype=jnp.float32) * 0.02
    type_table = jax.random.normal(k5, (NUM_TYPES, EMB), dtype=jnp.float32) * 0.02
    return {
        "input_tokens": input_tokens,
        "input_token_types": input_token_types,
        "word_table": word_table,
        "pos_table": pos_table,
        "type_table": type_table,
    }

def reference(input_tokens, input_token_types, word_table, pos_table, type_table):
    # word embeddings: gather rows of word_table by token id
    word_emb = jnp.take(word_table, input_tokens, axis=0)          # [B, S, E]
    # positional embeddings: position ids 0..S-1 broadcast over batch
    seq_len = input_tokens.shape[1]
    pos_ids = jnp.arange(seq_len)
    pos_emb = jnp.take(pos_table, pos_ids, axis=0)[None, :, :]     # [1, S, E]
    # token-type (segment) embeddings
    type_emb = jnp.take(type_table, input_token_types, axis=0)     # [B, S, E]
    embeddings = pos_emb + word_emb + type_emb
    # dropout is identity in eval/reference mode
    return embeddings

if __name__ == "__main__":
    import jax
    _d = setup_inputs()
    print(jax.jit(kernel)(*tuple(_d.values())))

</pallas_src>

<mosaic_0001>
#map = affine_map<(d0, d1) -> (0, 0)>
#map1 = affine_map<(d0, d1) -> (0, 0, 0)>
module attributes {stable_mosaic.version = 14 : i64} {
  func.func @sc_embed(%arg0: i32, %arg1: i32, %arg2: memref<16x2048xi32, #tpu.memory_space<hbm>>, %arg3: memref<16x2048xi32, #tpu.memory_space<hbm>>, %arg4: memref<100000x128xf32, #tpu.memory_space<hbm>>, %arg5: memref<4x1024x128xf32, #tpu.memory_space<hbm>>, %arg6: memref<16x2048x128xf32, #tpu.memory_space<hbm>>, %arg7: memref<1024xi32, #tpu.memory_space<vmem>>, %arg8: memref<1024xi32, #tpu.memory_space<vmem>>, %arg9: memref<6x128x128xf32, #tpu.memory_space<vmem>>, %arg10: memref<2048x128xf32, #tpu.memory_space<vmem_shared>>, %arg11: memref<!tpu.dma_semaphore, #tpu.memory_space<semaphore_mem>>, %arg12: memref<6x!tpu.dma_semaphore, #tpu.memory_space<semaphore_mem>>, %arg13: memref<6x!tpu.dma_semaphore, #tpu.memory_space<semaphore_mem>>, %arg14: memref<6x!tpu.dma_semaphore, #tpu.memory_space<semaphore_mem>>) attributes {dimension_semantics = [#tpu.dimension_semantics<core_parallel>, #tpu.dimension_semantics<subcore_parallel>], iteration_bounds = array<i64: 2, 16>, scalar_prefetch = 0 : i64, scratch_operands = 8 : i64, tpu.core_type = #tpu.core_type<sc_vector_subcore>, window_params = [{transform_indices = #map}, {transform_indices = #map}, {transform_indices = #map}, {transform_indices = #map1}, {transform_indices = #map1}]} {
    %mul3A = arith.constant 2 : i32
    %mul3A_0 = arith.muli %arg1, %mul3A : i32
    %add3A = arith.addi %mul3A_0, %arg0 : i32
    %jit3A = arith.constant 2 : i32
    %div3A = arith.divsi %add3A, %jit3A : i32
    %sign3A = arith.constant 0 : i32
    %sign3A_1 = arith.cmpi sgt, %add3A, %sign3A : i32
    %sign3A_2 = arith.extui %sign3A_1 : i1 to i32
    %sign3A_3 = arith.constant 0 : i32
    %sign3A_4 = arith.cmpi slt, %add3A, %sign3A_3 : i32
    %sign3A_5 = arith.extui %sign3A_4 : i1 to i32
    %sign3A_6 = arith.subi %sign3A_2, %sign3A_5 : i32
    %sign3A_7 = arith.constant 0 : i32
    %sign3A_8 = arith.cmpi sgt, %jit3A, %sign3A_7 : i32
    %sign3A_9 = arith.extui %sign3A_8 : i1 to i32
    %sign3A_10 = arith.constant 0 : i32
    %sign3A_11 = arith.cmpi slt, %jit3A, %sign3A_10 : i32
    %sign3A_12 = arith.extui %sign3A_11 : i1 to i32
    %sign3A_13 = arith.subi %sign3A_9, %sign3A_12 : i32
    %ne3A = arith.cmpi ne, %sign3A_6, %sign3A_13 : i32
    %rem3A = arith.remsi %add3A, %jit3A : i32
    %ne3A_14 = arith.constant 0 : i32
    %ne3A_15 = arith.cmpi ne, %rem3A, %ne3A_14 : i32
    %and3A = arith.andi %ne3A, %ne3A_15 : i1
    %sub3A = arith.constant 1 : i32
    %sub3A_16 = arith.subi %div3A, %sub3A : i32
    %select_n3A = arith.select %and3A, %sub3A_16, %div3A : i32
    %rem3A_17 = arith.constant 2 : i32
    %rem3A_18 = arith.remsi %add3A, %rem3A_17 : i32
    %mul3A_19 = arith.constant 1024 : i32
    %mul3A_20 = arith.muli %rem3A_18, %mul3A_19 : i32
    %multiple_of3A = tpu.assume_multiple %mul3A_20, 128 : i32
    %add3A_21 = arith.constant 0 : i32
    %add3A_22 = arith.addi %add3A_21, %arg0 : i32
    %add3A_23 = arith.constant 2 : i32
    %add3A_24 = arith.addi %add3A_23, %arg0 : i32
    %eq3A = arith.constant 0 : i32
    %eq3A_25 = arith.cmpi eq, %arg1, %eq3A : i32
    %convert_element_type3A = arith.extui %eq3A_25 : i1 to i32
    %cond3A = arith.constant 0 : i32
    %cond3A_26 = arith.cmpi ne, %convert_element_type3A, %cond3A : i32
    scf.if %cond3A_26 {
      %dma_start3A_755 = arith.constant 0 : i32
      %dma_start3A_756 = arith.constant 0 : i32
      %dma_start3A_757 = tpu.memref_slice %arg10[%dma_start3A_755, %dma_start3A_756] : memref<2048x128xf32, #tpu.memory_space<vmem_shared>> -> memref<1024x128xf32, #tpu.memory_space<vmem_shared>>
      %dma_start3A_758 = arith.constant 0 : i32
      %dma_start3A_759 = arith.constant 0 : i32
      %dma_start3A_760 = tpu.memref_slice %arg5[%add3A_22, %dma_start3A_758, %dma_start3A_759] : memref<4x1024x128xf32, #tpu.memory_space<hbm>> -> memref<1x1024x128xf32, #tpu.memory_space<hbm>>
      %dma_start3A_761 = tpu.memref_squeeze %dma_start3A_760 : memref<1x1024x128xf32, #tpu.memory_space<hbm>> -> memref<1024x128xf32, #tpu.memory_space<hbm>>
      tpu.enqueue_dma source(%dma_start3A_761 : memref<1024x128xf32, #tpu.memory_space<hbm>>) target(%dma_start3A_757 : memref<1024x128xf32, #tpu.memory_space<vmem_shared>>) target_semaphore(%arg11 : memref<!tpu.dma_semaphore, #tpu.memory_space<semaphore_mem>>)
      %dma_start3A_762 = arith.constant 1024 : i32
      %dma_start3A_763 = arith.constant 0 : i32
      %dma_start3A_764 = tpu.memref_slice %arg10[%dma_start3A_762, %dma_start3A_763] : memref<2048x128xf32, #tpu.memory_space<vmem_shared>> -> memref<1024x128xf32, #tpu.memory_space<vmem_shared>>
      %dma_start3A_765 = arith.constant 0 : i32
      %dma_start3A_766 = arith.constant 0 : i32
      %dma_start3A_767 = tpu.memref_slice %arg5[%add3A_24, %dma_start3A_765, %dma_start3A_766] : memref<4x1024x128xf32, #tpu.memory_space<hbm>> -> memref<1x1024x128xf32, #tpu.memory_space<hbm>>
      %dma_start3A_768 = tpu.memref_squeeze %dma_start3A_767 : memref<1x1024x128xf32, #tpu.memory_space<hbm>> -> memref<1024x128xf32, #tpu.memory_space<hbm>>
      tpu.enqueue_dma source(%dma_start3A_768 : memref<1024x128xf32, #tpu.memory_space<hbm>>) target(%dma_start3A_764 : memref<1024x128xf32, #tpu.memory_space<vmem_shared>>) target_semaphore(%arg11 : memref<!tpu.dma_semaphore, #tpu.memory_space<semaphore_mem>>)
    } else {
    }
    "tpu.region"() ({
      %run_scoped3A = tpu.sem_alloc : memref<!tpu.dma_semaphore, #tpu.memory_space<semaphore_mem>>
      %dma_start3A_755 = tpu.memref_slice %arg2[%select_n3A, %multiple_of3A] : memref<16x2048xi32, #tpu.memory_space<hbm>> -> memref<1x1024xi32, #tpu.memory_space<hbm>>
      %dma_start3A_756 = tpu.memref_squeeze %dma_start3A_755 : memref<1x1024xi32, #tpu.memory_space<hbm>> -> memref<1024xi32, #tpu.memory_space<hbm>>
      %dma_start3A_757 = tpu.memref_slice %arg2[%select_n3A, %multiple_of3A] : memref<16x2048xi32, #tpu.memory_space<hbm>> -> memref<1x1024xi32, #tpu.memory_space<hbm>>
      %dma_start3A_758 = tpu.memref_squeeze %dma_start3A_757 : memref<1x1024xi32, #tpu.memory_space<hbm>> -> memref<1024xi32, #tpu.memory_space<hbm>>
      tpu.enqueue_dma source(%dma_start3A_758 : memref<1024xi32, #tpu.memory_space<hbm>>) target(%arg7 : memref<1024xi32, #tpu.memory_space<vmem>>) target_semaphore(%run_scoped3A : memref<!tpu.dma_semaphore, #tpu.memory_space<semaphore_mem>>)
      %dma_wait3A_759 = tpu.memref_slice %arg2[%select_n3A, %multiple_of3A] : memref<16x2048xi32, #tpu.memory_space<hbm>> -> memref<1x1024xi32, #tpu.memory_space<hbm>>
      %dma_wait3A_760 = tpu.memref_squeeze %dma_wait3A_759 : memref<1x1024xi32, #tpu.memory_space<hbm>> -> memref<1024xi32, #tpu.memory_space<hbm>>
      %dma_wait3A_761 = tpu.memref_slice %arg2[%select_n3A, %multiple_of3A] : memref<16x2048xi32, #tpu.memory_space<hbm>> -> memref<1x1024xi32, #tpu.memory_space<hbm>>
      %dma_wait3A_762 = tpu.memref_squeeze %dma_wait3A_761 : memref<1x1024xi32, #tpu.memory_space<hbm>> -> memref<1024xi32, #tpu.memory_space<hbm>>
      tpu.wait_dma2 semaphore(%run_scoped3A : memref<!tpu.dma_semaphore, #tpu.memory_space<semaphore_mem>>) src(%dma_wait3A_762 : memref<1024xi32, #tpu.memory_space<hbm>>) dst(%arg7 : memref<1024xi32, #tpu.memory_space<vmem>>)
      tpu.yield
    }) : () -> ()
    %dma_start3A = arith.constant 0 : i32
    %dma_start3A_27 = arith.constant 0 : i32
    %dma_start3A_28 = arith.constant 0 : i32
    %dma_start3A_29 = arith.constant 0 : i32
    %dma_start3A_30 = tpu.memref_slice %arg9[%dma_start3A, %dma_start3A_28, %dma_start3A_29] : memref<6x128x128xf32, #tpu.memory_space<vmem>> -> memref<1x128x128xf32, #tpu.memory_space<vmem>>
    %dma_start3A_31 = tpu.memref_squeeze %dma_start3A_30 : memref<1x128x128xf32, #tpu.memory_space<vmem>> -> memref<128x128xf32, #tpu.memory_space<vmem>>
    %dma_start3A_32 = arith.constant 0 : i32
    %dma_start3A_33 = tpu.memref_slice %arg7[%dma_start3A_32] : memref<1024xi32, #tpu.memory_space<vmem>> -> memref<128xi32, #tpu.memory_space<vmem>>
    %dma_start3A_34 = arith.constant 0 : i32
    %dma_start3A_35 = arith.constant 0 : i32
    %dma_start3A_36 = tpu.memref_slice %arg4[%dma_start3A_34, %dma_start3A_35] : memref<100000x128xf32, #tpu.memory_space<hbm>> -> memref<100000x128xf32, #tpu.memory_space<hbm>>
    %dma_start3A_37 = tpu.memref_slice %arg13[%dma_start3A_27] : memref<6x!tpu.dma_semaphore, #tpu.memory_space<semaphore_mem>> -> memref<1x!tpu.dma_semaphore, #tpu.memory_space<semaphore_mem>>
    %dma_start3A_38 = tpu.memref_squeeze %dma_start3A_37 : memref<1x!tpu.dma_semaphore, #tpu.memory_space<semaphore_mem>> -> memref<!tpu.dma_semaphore, #tpu.memory_space<semaphore_mem>>
    tpu.enqueue_indirect_dma source(%dma_start3A_36 : memref<100000x128xf32, #tpu.memory_space<hbm>>) target(%dma_start3A_31 : memref<128x128xf32, #tpu.memory_space<vmem>>) offsets(%dma_start3A_33 : memref<128xi32, #tpu.memory_space<vmem>>) semaphore(%dma_start3A_38 : memref<!tpu.dma_semaphore, #tpu.memory_space<semaphore_mem>>)
    %dma_start3A_39 = arith.constant 1 : i32
    %dma_start3A_40 = arith.constant 1 : i32
    %dma_start3A_41 = arith.constant 0 : i32
    %dma_start3A_42 = arith.constant 0 : i32
    %dma_start3A_43 = tpu.memref_slice %arg9[%dma_start3A_39, %dma_start3A_41, %dma_start3A_42] : memref<6x128x128xf32, #tpu.memory_space<vmem>> -> memref<1x128x128xf32, #tpu.memory_space<vmem>>
    %dma_start3A_44 = tpu.memref_squeeze %dma_start3A_43 : memref<1x128x128xf32, #tpu.memory_space<vmem>> -> memref<128x128xf32, #tpu.memory_space<vmem>>
    %dma_start3A_45 = arith.constant 128 : i32
    %dma_start3A_46 = tpu.memref_slice %arg7[%dma_start3A_45] : memref<1024xi32, #tpu.memory_space<vmem>> -> memref<128xi32, #tpu.memory_space<vmem>>
    %dma_start3A_47 = arith.constant 0 : i32
    %dma_start3A_48 = arith.constant 0 : i32
    %dma_start3A_49 = tpu.memref_slice %arg4[%dma_start3A_47, %dma_start3A_48] : memref<100000x128xf32, #tpu.memory_space<hbm>> -> memref<100000x128xf32, #tpu.memory_space<hbm>>
    %dma_start3A_50 = tpu.memref_slice %arg13[%dma_start3A_40] : memref<6x!tpu.dma_semaphore, #tpu.memory_space<semaphore_mem>> -> memref<1x!tpu.dma_semaphore, #tpu.memory_space<semaphore_mem>>
    %dma_start3A_51 = tpu.memref_squeeze %dma_start3A_50 : memref<1x!tpu.dma_semaphore, #tpu.memory_space<semaphore_mem>> -> memref<!tpu.dma_semaphore, #tpu.memory_space<semaphore_mem>>
    tpu.enqueue_indirect_dma source(%dma_start3A_49 : memref<100000x128xf32, #tpu.memory_space<hbm>>) target(%dma_start3A_44 : memref<128x128xf32, #tpu.memory_space<vmem>>) offsets(%dma_start3A_46 : memref<128xi32, #tpu.memory_space<vmem>>) semaphore(%dma_start3A_51 : memref<!tpu.dma_semaphore, #tpu.memory_space<semaphore_mem>>)
    %dma_start3A_52 = arith.constant 2 : i32
    %dma_start3A_53 = arith.constant 2 : i32
    %dma_start3A_54 = arith.constant 0 : i32
    %dma_start3A_55 = arith.constant 0 : i32
    %dma_start3A_56 = tpu.memref_slice %arg9[%dma_start3A_52, %dma_start3A_54, %dma_start3A_55] : memref<6x128x128xf32, #tpu.memory_space<vmem>> -> memref<1x128x128xf32, #tpu.memory_space<vmem>>
    %dma_start3A_57 = tpu.memref_squeeze %dma_start3A_56 : memref<1x128x128xf32, #tpu.memory_space<vmem>> -> memref<128x128xf32, #tpu.memory_space<vmem>>
    %dma_start3A_58 = arith.constant 256 : i32
    %dma_start3A_59 = tpu.memref_slice %arg7[%dma_start3A_58] : memref<1024xi32, #tpu.memory_space<vmem>> -> memref<128xi32, #tpu.memory_space<vmem>>
    %dma_start3A_60 = arith.constant 0 : i32
    %dma_start3A_61 = arith.constant 0 : i32
    %dma_start3A_62 = tpu.memref_slice %arg4[%dma_start3A_60, %dma_start3A_61] : memref<100000x128xf32, #tpu.memory_space<hbm>> -> memref<100000x128xf32, #tpu.memory_space<hbm>>
    %dma_start3A_63 = tpu.memref_slice %arg13[%dma_start3A_53] : memref<6x!tpu.dma_semaphore, #tpu.memory_space<semaphore_mem>> -> memref<1x!tpu.dma_semaphore, #tpu.memory_space<semaphore_mem>>
    %dma_start3A_64 = tpu.memref_squeeze %dma_start3A_63 : memref<1x!tpu.dma_semaphore, #tpu.memory_space<semaphore_mem>> -> memref<!tpu.dma_semaphore, #tpu.memory_space<semaphore_mem>>
    tpu.enqueue_indirect_dma source(%dma_start3A_62 : memref<100000x128xf32, #tpu.memory_space<hbm>>) target(%dma_start3A_57 : memref<128x128xf32, #tpu.memory_space<vmem>>) offsets(%dma_start3A_59 : memref<128xi32, #tpu.memory_space<vmem>>) semaphore(%dma_start3A_64 : memref<!tpu.dma_semaphore, #tpu.memory_space<semaphore_mem>>)
    %dma_start3A_65 = arith.constant 3 : i32
    %dma_start3A_66 = arith.constant 3 : i32
    %dma_start3A_67 = arith.constant 0 : i32
    %dma_start3A_68 = arith.constant 0 : i32
    %dma_start3A_69 = tpu.memref_slice %arg9[%dma_start3A_65, %dma_start3A_67, %dma_start3A_68] : memref<6x128x128xf32, #tpu.memory_space<vmem>> -> memref<1x128x128xf32, #tpu.memory_space<vmem>>
    %dma_start3A_70 = tpu.memref_squeeze %dma_start3A_69 : memref<1x128x128xf32, #tpu.memory_space<vmem>> -> memref<128x128xf32, #tpu.memory_space<vmem>>
    %dma_start3A_71 = arith.constant 384 : i32
    %dma_start3A_72 = tpu.memref_slice %arg7[%dma_start3A_71] : memref<1024xi32, #tpu.memory_space<vmem>> -> memref<128xi32, #tpu.memory_space<vmem>>
    %dma_start3A_73 = arith.constant 0 : i32
    %dma_start3A_74 = arith.constant 0 : i32
    %dma_start3A_75 = tpu.memref_slice %arg4[%dma_start3A_73, %dma_start3A_74] : memref<100000x128xf32, #tpu.memory_space<hbm>> -> memref<100000x128xf32, #tpu.memory_space<hbm>>
    %dma_start3A_76 = tpu.memref_slice %arg13[%dma_start3A_66] : memref<6x!tpu.dma_semaphore, #tpu.memory_space<semaphore_mem>> -> memref<1x!tpu.dma_semaphore, #tpu.memory_space<semaphore_mem>>
    %dma_start3A_77 = tpu.memref_squeeze %dma_start3A_76 : memref<1x!tpu.dma_semaphore, #tpu.memory_space<semaphore_mem>> -> memref<!tpu.dma_semaphore, #tpu.memory_space<semaphore_mem>>
    tpu.enqueue_indirect_dma source(%dma_start3A_75 : memref<100000x128xf32, #tpu.memory_space<hbm>>) target(%dma_start3A_70 : memref<128x128xf32, #tpu.memory_space<vmem>>) offsets(%dma_start3A_72 : memref<128xi32, #tpu.memory_space<vmem>>) semaphore(%dma_start3A_77 : memref<!tpu.dma_semaphore, #tpu.memory_space<semaphore_mem>>)
    %dma_start3A_78 = arith.constant 4 : i32
    %dma_start3A_79 = arith.constant 4 : i32
    %dma_start3A_80 = arith.constant 0 : i32
    %dma_start3A_81 = arith.constant 0 : i32
    %dma_start3A_82 = tpu.memref_slice %arg9[%dma_start3A_78, %dma_start3A_80, %dma_start3A_81] : memref<6x128x128xf32, #tpu.memory_space<vmem>> -> memref<1x128x128xf32, #tpu.memory_space<vmem>>
    %dma_start3A_83 = tpu.memref_squeeze %dma_start3A_82 : memref<1x128x128xf32, #tpu.memory_space<vmem>> -> memref<128x128xf32, #tpu.memory_space<vmem>>
    %dma_start3A_84 = arith.constant 512 : i32
    %dma_start3A_85 = tpu.memref_slice %arg7[%dma_start3A_84] : memref<1024xi32, #tpu.memory_space<vmem>> -> memref<128xi32, #tpu.memory_space<vmem>>
    %dma_start3A_86 = arith.constant 0 : i32
    %dma_start3A_87 = arith.constant 0 : i32
    %dma_start3A_88 = tpu.memref_slice %arg4[%dma_start3A_86, %dma_start3A_87] : memref<100000x128xf32, #tpu.memory_space<hbm>> -> memref<100000x128xf32, #tpu.memory_space<hbm>>
    %dma_start3A_89 = tpu.memref_slice %arg13[%dma_start3A_79] : memref<6x!tpu.dma_semaphore, #tpu.memory_space<semaphore_mem>> -> memref<1x!tpu.dma_semaphore, #tpu.memory_space<semaphore_mem>>
    %dma_start3A_90 = tpu.memref_squeeze %dma_start3A_89 : memref<1x!tpu.dma_semaphore, #tpu.memory_space<semaphore_mem>> -> memref<!tpu.dma_semaphore, #tpu.memory_space<semaphore_mem>>
    tpu.enqueue_indirect_dma source(%dma_start3A_88 : memref<100000x128xf32, #tpu.memory_space<hbm>>) target(%dma_start3A_83 : memref<128x128xf32, #tpu.memory_space<vmem>>) offsets(%dma_start3A_85 : memref<128xi32, #tpu.memory_space<vmem>>) semaphore(%dma_start3A_90 : memref<!tpu.dma_semaphore, #tpu.memory_space<semaphore_mem>>)
    %dma_start3A_91 = arith.constant 5 : i32
    %dma_start3A_92 = arith.constant 5 : i32
    %dma_start3A_93 = arith.constant 0 : i32
    %dma_start3A_94 = arith.constant 0 : i32
    %dma_start3A_95 = tpu.memref_slice %arg9[%dma_start3A_91, %dma_start3A_93, %dma_start3A_94] : memref<6x128x128xf32, #tpu.memory_space<vmem>> -> memref<1x128x128xf32, #tpu.memory_space<vmem>>
    %dma_start3A_96 = tpu.memref_squeeze %dma_start3A_95 : memref<1x128x128xf32, #tpu.memory_space<vmem>> -> memref<128x128xf32, #tpu.memory_space<vmem>>
    %dma_start3A_97 = arith.constant 640 : i32
    %dma_start3A_98 = tpu.memref_slice %arg7[%dma_start3A_97] : memref<1024xi32, #tpu.memory_space<vmem>> -> memref<128xi32, #tpu.memory_space<vmem>>
    %dma_start3A_99 = arith.constant 0 : i32
    %dma_start3A_100 = arith.constant 0 : i32
    %dma_start3A_101 = tpu.memref_slice %arg4[%dma_start3A_99, %dma_start3A_100] : memref<100000x128xf32, #tpu.memory_space<hbm>> -> memref<100000x128xf32, #tpu.memory_space<hbm>>
    %dma_start3A_102 = tpu.memref_slice %arg13[%dma_start3A_92] : memref<6x!tpu.dma_semaphore, #tpu.memory_space<semaphore_mem>> -> memref<1x!tpu.dma_semaphore, #tpu.memory_space<semaphore_mem>>
    %dma_start3A_103 = tpu.memref_squeeze %dma_start3A_102 : memref<1x!tpu.dma_semaphore, #tpu.memory_space<semaphore_mem>> -> memref<!tpu.dma_semaphore, #tpu.memory_space<semaphore_mem>>
    tpu.enqueue_indirect_dma source(%dma_start3A_101 : memref<100000x128xf32, #tpu.memory_space<hbm>>) target(%dma_start3A_96 : memref<128x128xf32, #tpu.memory_space<vmem>>) offsets(%dma_start3A_98 : memref<128xi32, #tpu.memory_space<vmem>>) semaphore(%dma_start3A_103 : memref<!tpu.dma_semaphore, #tpu.memory_space<semaphore_mem>>)
    "tpu.region"() ({
      %run_scoped3A = tpu.sem_alloc : memref<!tpu.dma_semaphore, #tpu.memory_space<semaphore_mem>>
      %dma_start3A_755 = tpu.memref_slice %arg3[%select_n3A, %multiple_of3A] : memref<16x2048xi32, #tpu.memory_space<hbm>> -> memref<1x1024xi32, #tpu.memory_space<hbm>>
      %dma_start3A_756 = tpu.memref_squeeze %dma_start3A_755 : memref<1x1024xi32, #tpu.memory_space<hbm>> -> memref<1024xi32, #tpu.memory_space<hbm>>
      %dma_start3A_757 = tpu.memref_slice %arg3[%select_n3A, %multiple_of3A] : memref<16x2048xi32, #tpu.memory_space<hbm>> -> memref<1x1024xi32, #tpu.memory_space<hbm>>
      %dma_start3A_758 = tpu.memref_squeeze %dma_start3A_757 : memref<1x1024xi32, #tpu.memory_space<hbm>> -> memref<1024xi32, #tpu.memory_space<hbm>>
      tpu.enqueue_dma source(%dma_start3A_758 : memref<1024xi32, #tpu.memory_space<hbm>>) target(%arg8 : memref<1024xi32, #tpu.memory_space<vmem>>) target_semaphore(%run_scoped3A : memref<!tpu.dma_semaphore, #tpu.memory_space<semaphore_mem>>)
      %dma_wait3A_759 = tpu.memref_slice %arg3[%select_n3A, %multiple_of3A] : memref<16x2048xi32, #tpu.memory_space<hbm>> -> memref<1x1024xi32, #tpu.memory_space<hbm>>
      %dma_wait3A_760 = tpu.memref_squeeze %dma_wait3A_759 : memref<1x1024xi32, #tpu.memory_space<hbm>> -> memref<1024xi32, #tpu.memory_space<hbm>>
      %dma_wait3A_761 = tpu.memref_slice %arg3[%select_n3A, %multiple_of3A] : memref<16x2048xi32, #tpu.memory_space<hbm>> -> memref<1x1024xi32, #tpu.memory_space<hbm>>
      %dma_wait3A_762 = tpu.memref_squeeze %dma_wait3A_761 : memref<1x1024xi32, #tpu.memory_space<hbm>> -> memref<1024xi32, #tpu.memory_space<hbm>>
      tpu.wait_dma2 semaphore(%run_scoped3A : memref<!tpu.dma_semaphore, #tpu.memory_space<semaphore_mem>>) src(%dma_wait3A_762 : memref<1024xi32, #tpu.memory_space<hbm>>) dst(%arg8 : memref<1024xi32, #tpu.memory_space<vmem>>)
      tpu.yield
    }) : () -> ()
    %scan3A = arith.constant 0 : i32
    %scan3A_104 = arith.constant 0 : i32
    %scan3A_105 = arith.constant 64 : i32
    %scan3A_106 = arith.addi %scan3A_104, %scan3A_105 : i32
    %scan3A_107 = arith.constant 1 : i32
    scf.for %scan3A_755 = %scan3A_104 to %scan3A_106 step %scan3A_107  : i32 {
      %mul3A_756 = arith.constant 16 : i32
      %mul3A_757 = arith.muli %scan3A_755, %mul3A_756 : i32
      %iota3A = tpu.iota {dimensions = array<i32: 0>} : vector<16xi32>
      %mul3A_758 = arith.constant 16 : i32
      %mul3A_759 = arith.muli %scan3A_755, %mul3A_758 : i32
      %add3A_760 = vector.broadcast %mul3A_759 : i32 to vector<16xi32>
      %add3A_761 = arith.addi %iota3A, %add3A_760 : vector<16xi32>
      %get3A = arith.index_cast %mul3A_757 : i32 to index
      %get3A_762 = tpu.vector_load %arg8[%get3A] {strides = array<i32>} : memref<1024xi32, #tpu.memory_space<vmem>>, vector<16xi32>,
      %get3A_763 = vector.shape_cast %get3A_762 : vector<16xi32> to vector<16xi32>
      %mul3A_764 = arith.constant 1024 : i32
      %mul3A_765 = vector.broadcast %mul3A_764 : i32 to vector<16xi32>
      %mul3A_766 = arith.muli %get3A_763, %mul3A_765 : vector<16xi32>
      %add3A_767 = arith.addi %mul3A_766, %add3A_761 : vector<16xi32>
      %swap3A = arith.index_cast %mul3A_757 : i32 to index
      %swap3A_768 = tpu.vector_load %arg8[%swap3A] {strides = array<i32>} : memref<1024xi32, #tpu.memory_space<vmem>>, vector<16xi32>,
      %swap3A_769 = vector.shape_cast %swap3A_768 : vector<16xi32> to vector<16xi32>
      %swap3A_770 = vector.shape_cast %add3A_767 : vector<16xi32> to vector<16xi32>
      tpu.vector_store %arg8[%swap3A], %swap3A_770 {strides = array<i32>} : memref<1024xi32, #tpu.memory_space<vmem>>, vector<16xi32>,
    }
    %scan3A_108 = arith.constant 64 : i32
    %eq3A_109 = arith.constant 0 : i32
    %eq3A_110 = arith.cmpi eq, %arg1, %eq3A_109 : i32
    %convert_element_type3A_111 = arith.extui %eq3A_110 : i1 to i32
    %cond3A_112 = arith.constant 0 : i32
    %cond3A_113 = arith.cmpi ne, %convert_element_type3A_111, %cond3A_112 : i32
    scf.if %cond3A_113 {
      %dma_wait3A_755 = arith.constant 0 : i32
      %dma_wait3A_756 = arith.constant 0 : i32
      %dma_wait3A_757 = tpu.memref_slice %arg10[%dma_wait3A_755, %dma_wait3A_756] : memref<2048x128xf32, #tpu.memory_space<vmem_shared>> -> memref<1024x128xf32, #tpu.memory_space<vmem_shared>>
      %dma_wait3A_758 = arith.constant 0 : i32
      %dma_wait3A_759 = arith.constant 0 : i32
      %dma_wait3A_760 = tpu.memref_slice %arg5[%add3A_22, %dma_wait3A_758, %dma_wait3A_759] : memref<4x1024x128xf32, #tpu.memory_space<hbm>> -> memref<1x1024x128xf32, #tpu.memory_space<hbm>>
      %dma_wait3A_761 = tpu.memref_squeeze %dma_wait3A_760 : memref<1x1024x128xf32, #tpu.memory_space<hbm>> -> memref<1024x128xf32, #tpu.memory_space<hbm>>
      tpu.wait_dma2 semaphore(%arg11 : memref<!tpu.dma_semaphore, #tpu.memory_space<semaphore_mem>>) src(%dma_wait3A_761 : memref<1024x128xf32, #tpu.memory_space<hbm>>) dst(%dma_wait3A_757 : memref<1024x128xf32, #tpu.memory_space<vmem_shared>>)
      %dma_wait3A_762 = arith.constant 1024 : i32
      %dma_wait3A_763 = arith.constant 0 : i32
      %dma_wait3A_764 = tpu.memref_slice %arg10[%dma_wait3A_762, %dma_wait3A_763] : memref<2048x128xf32, #tpu.memory_space<vmem_shared>> -> memref<1024x128xf32, #tpu.memory_space<vmem_shared>>
      %dma_wait3A_765 = arith.constant 0 : i32
      %dma_wait3A_766 = arith.constant 0 : i32
      %dma_wait3A_767 = tpu.memref_slice %arg5[%add3A_24, %dma_wait3A_765, %dma_wait3A_766] : memref<4x1024x128xf32, #tpu.memory_space<hbm>> -> memref<1x1024x128xf32, #tpu.memory_space<hbm>>
      %dma_wait3A_768 = tpu.memref_squeeze %dma_wait3A_767 : memref<1x1024x128xf32, #tpu.memory_space<hbm>> -> memref<1024x128xf32, #tpu.memory_space<hbm>>
      tpu.wait_dma2 semaphore(%arg11 : memref<!tpu.dma_semaphore, #tpu.memory_space<semaphore_mem>>) src(%dma_wait3A_768 : memref<1024x128xf32, #tpu.memory_space<hbm>>) dst(%dma_wait3A_764 : memref<1024x128xf32, #tpu.memory_space<vmem_shared>>)
    } else {
    }
    %barrier3A = arith.constant 0 : index
    tpu.barrier barrier_id(%barrier3A)
    %dma_wait3A = arith.constant 0 : i32
    %dma_wait3A_114 = arith.constant 0 : i32
    %dma_wait3A_115 = arith.constant 0 : i32
    %dma_wait3A_116 = arith.constant 0 : i32
    %dma_wait3A_117 = tpu.memref_slice %arg9[%dma_wait3A, %dma_wait3A_115, %dma_wait3A_116] : memref<6x128x128xf32, #tpu.memory_space<vmem>> -> memref<1x128x128xf32, #tpu.memory_space<vmem>>
    %dma_wait3A_118 = tpu.memref_squeeze %dma_wait3A_117 : memref<1x128x128xf32, #tpu.memory_space<vmem>> -> memref<128x128xf32, #tpu.memory_space<vmem>>
    %dma_wait3A_119 = arith.constant 0 : i32
    %dma_wait3A_120 = tpu.memref_slice %arg7[%dma_wait3A_119] : memref<1024xi32, #tpu.memory_space<vmem>> -> memref<128xi32, #tpu.memory_space<vmem>>
    %dma_wait3A_121 = arith.constant 0 : i32
    %dma_wait3A_122 = arith.constant 0 : i32
    %dma_wait3A_123 = tpu.memref_slice %arg4[%dma_wait3A_121, %dma_wait3A_122] : memref<100000x128xf32, #tpu.memory_space<hbm>> -> memref<100000x128xf32, #tpu.memory_space<hbm>>
    %dma_wait3A_124 = tpu.memref_slice %arg13[%dma_wait3A_114] : memref<6x!tpu.dma_semaphore, #tpu.memory_space<semaphore_mem>> -> memref<1x!tpu.dma_semaphore, #tpu.memory_space<semaphore_mem>>
    %dma_wait3A_125 = tpu.memref_squeeze %dma_wait3A_124 : memref<1x!tpu.dma_semaphore, #tpu.memory_space<semaphore_mem>> -> memref<!tpu.dma_semaphore, #tpu.memory_space<semaphore_mem>>
    tpu.wait_indirect_dma semaphore(%dma_wait3A_125 : memref<!tpu.dma_semaphore, #tpu.memory_space<semaphore_mem>>) src(%dma_wait3A_123 : memref<100000x128xf32, #tpu.memory_space<hbm>>) dst(%dma_wait3A_118 : memref<128x128xf32, #tpu.memory_space<vmem>>)
    %dma_start3A_126 = arith.constant 0 : i32
    %dma_start3A_127 = arith.constant 0 : i32
    %dma_start3A_128 = arith.constant 0 : i32
    %dma_start3A_129 = arith.constant 0 : i32
    %dma_start3A_130 = tpu.memref_slice %arg9[%dma_start3A_126, %dma_start3A_128, %dma_start3A_129] : memref<6x128x128xf32, #tpu.memory_space<vmem>> -> memref<1x128x128xf32, #tpu.memory_space<vmem>>
    %dma_start3A_131 = tpu.memref_squeeze %dma_start3A_130 : memref<1x128x128xf32, #tpu.memory_space<vmem>> -> memref<128x128xf32, #tpu.memory_space<vmem>>
    %dma_start3A_132 = arith.constant 0 : i32
    %dma_start3A_133 = tpu.memref_slice %arg8[%dma_start3A_132] : memref<1024xi32, #tpu.memory_space<vmem>> -> memref<128xi32, #tpu.memory_space<vmem>>
    %dma_start3A_134 = arith.constant 0 : i32
    %dma_start3A_135 = arith.constant 0 : i32
    %dma_start3A_136 = tpu.memref_slice %arg10[%dma_start3A_134, %dma_start3A_135] : memref<2048x128xf32, #tpu.memory_space<vmem_shared>> -> memref<2048x128xf32, #tpu.memory_space<vmem_shared>>
    %dma_start3A_137 = tpu.memref_slice %arg12[%dma_start3A_127] : memref<6x!tpu.dma_semaphore, #tpu.memory_space<semaphore_mem>> -> memref<1x!tpu.dma_semaphore, #tpu.memory_space<semaphore_mem>>
    %dma_start3A_138 = tpu.memref_squeeze %dma_start3A_137 : memref<1x!tpu.dma_semaphore, #tpu.memory_space<semaphore_mem>> -> memref<!tpu.dma_semaphore, #tpu.memory_space<semaphore_mem>>
    tpu.enqueue_indirect_dma source(%dma_start3A_136 : memref<2048x128xf32, #tpu.memory_space<vmem_shared>>) target(%dma_start3A_131 : memref<128x128xf32, #tpu.memory_space<vmem>>) offsets(%dma_start3A_133 : memref<128xi32, #tpu.memory_space<vmem>>) semaphore(%dma_start3A_138 : memref<!tpu.dma_semaphore, #tpu.memory_space<semaphore_mem>>) {add = true}
    %dma_wait3A_139 = arith.constant 1 : i32
    %dma_wait3A_140 = arith.constant 1 : i32
    %dma_wait3A_141 = arith.constant 0 : i32
    %dma_wait3A_142 = arith.constant 0 : i32
    %dma_wait3A_143 = tpu.memref_slice %arg9[%dma_wait3A_139, %dma_wait3A_141, %dma_wait3A_142] : memref<6x128x128xf32, #tpu.memory_space<vmem>> -> memref<1x128x128xf32, #tpu.memory_space<vmem>>
    %dma_wait3A_144 = tpu.memref_squeeze %dma_wait3A_143 : memref<1x128x128xf32, #tpu.memory_space<vmem>> -> memref<128x128xf32, #tpu.memory_space<vmem>>
    %dma_wait3A_145 = arith.constant 128 : i32
    %dma_wait3A_146 = tpu.memref_slice %arg7[%dma_wait3A_145] : memref<1024xi32, #tpu.memory_space<vmem>> -> memref<128xi32, #tpu.memory_space<vmem>>
    %dma_wait3A_147 = arith.constant 0 : i32
    %dma_wait3A_148 = arith.constant 0 : i32
    %dma_wait3A_149 = tpu.memref_slice %arg4[%dma_wait3A_147, %dma_wait3A_148] : memref<100000x128xf32, #tpu.memory_space<hbm>> -> memref<100000x128xf32, #tpu.memory_space<hbm>>
    %dma_wait3A_150 = tpu.memref_slice %arg13[%dma_wait3A_140] : memref<6x!tpu.dma_semaphore, #tpu.memory_space<semaphore_mem>> -> memref<1x!tpu.dma_semaphore, #tpu.memory_space<semaphore_mem>>
    %dma_wait3A_151 = tpu.memref_squeeze %dma_wait3A_150 : memref<1x!tpu.dma_semaphore, #tpu.memory_space<semaphore_mem>> -> memref<!tpu.dma_semaphore, #tpu.memory_space<semaphore_mem>>
    tpu.wait_indirect_dma semaphore(%dma_wait3A_151 : memref<!tpu.dma_semaphore, #tpu.memory_space<semaphore_mem>>) src(%dma_wait3A_149 : memref<100000x128xf32, #tpu.memory_space<hbm>>) dst(%dma_wait3A_144 : memref<128x128xf32, #tpu.memory_space<vmem>>)
    %dma_start3A_152 = arith.constant 1 : i32
    %dma_start3A_153 = arith.constant 1 : i32
    %dma_start3A_154 = arith.constant 0 : i32
    %dma_start3A_155 = arith.constant 0 : i32
    %dma_start3A_156 = tpu.memref_slice %arg9[%dma_start3A_152, %dma_start3A_154, %dma_start3A_155] : memref<6x128x128xf32, #tpu.memory_space<vmem>> -> memref<1x128x128xf32, #tpu.memory_space<vmem>>
    %dma_start3A_157 = tpu.memref_squeeze %dma_start3A_156 : memref<1x128x128xf32, #tpu.memory_space<vmem>> -> memref<128x128xf32, #tpu.memory_space<vmem>>
    %dma_start3A_158 = arith.constant 128 : i32
    %dma_start3A_159 = tpu.memref_slice %arg8[%dma_start3A_158] : memref<1024xi32, #tpu.memory_space<vmem>> -> memref<128xi32, #tpu.memory_space<vmem>>
    %dma_start3A_160 = arith.constant 0 : i32
    %dma_start3A_161 = arith.constant 0 : i32
    %dma_start3A_162 = tpu.memref_slice %arg10[%dma_start3A_160, %dma_start3A_161] : memref<2048x128xf32, #tpu.memory_space<vmem_shared>> -> memref<2048x128xf32, #tpu.memory_space<vmem_shared>>
    %dma_start3A_163 = tpu.memref_slice %arg12[%dma_start3A_153] : memref<6x!tpu.dma_semaphore, #tpu.memory_space<semaphore_mem>> -> memref<1x!tpu.dma_semaphore, #tpu.memory_space<semaphore_mem>>
    %dma_start3A_164 = tpu.memref_squeeze %dma_start3A_163 : memref<1x!tpu.dma_semaphore, #tpu.memory_space<semaphore_mem>> -> memref<!tpu.dma_semaphore, #tpu.memory_space<semaphore_mem>>
    tpu.enqueue_indirect_dma source(%dma_start3A_162 : memref<2048x128xf32, #tpu.memory_space<vmem_shared>>) target(%dma_start3A_157 : memref<128x128xf32, #tpu.memory_space<vmem>>) offsets(%dma_start3A_159 : memref<128xi32, #tpu.memory_space<vmem>>) semaphore(%dma_start3A_164 : memref<!tpu.dma_semaphore, #tpu.memory_space<semaphore_mem>>) {add = true}
    %dma_wait3A_165 = arith.constant 2 : i32
    %dma_wait3A_166 = arith.constant 2 : i32
    %dma_wait3A_167 = arith.constant 0 : i32
    %dma_wait3A_168 = arith.constant 0 : i32
    %dma_wait3A_169 = tpu.memref_slice %arg9[%dma_wait3A_165, %dma_wait3A_167, %dma_wait3A_168] : memref<6x128x128xf32, #tpu.memory_space<vmem>> -> memref<1x128x128xf32, #tpu.memory_space<vmem>>
    %dma_wait3A_170 = tpu.memref_squeeze %dma_wait3A_169 : memref<1x128x128xf32, #tpu.memory_space<vmem>> -> memref<128x128xf32, #tpu.memory_space<vmem>>
    %dma_wait3A_171 = arith.constant 256 : i32
    %dma_wait3A_172 = tpu.memref_slice %arg7[%dma_wait3A_171] : memref<1024xi32, #tpu.memory_space<vmem>> -> memref<128xi32, #tpu.memory_space<vmem>>
    %dma_wait3A_173 = arith.constant 0 : i32
    %dma_wait3A_174 = arith.constant 0 : i32
    %dma_wait3A_175 = tpu.memref_slice %arg4[%dma_wait3A_173, %dma_wait3A_174] : memref<100000x128xf32, #tpu.memory_space<hbm>> -> memref<100000x128xf32, #tpu.memory_space<hbm>>
    %dma_wait3A_176 = tpu.memref_slice %arg13[%dma_wait3A_166] : memref<6x!tpu.dma_semaphore, #tpu.memory_space<semaphore_mem>> -> memref<1x!tpu.dma_semaphore, #tpu.memory_space<semaphore_mem>>
    %dma_wait3A_177 = tpu.memref_squeeze %dma_wait3A_176 : memref<1x!tpu.dma_semaphore, #tpu.memory_space<semaphore_mem>> -> memref<!tpu.dma_semaphore, #tpu.memory_space<semaphore_mem>>
    tpu.wait_indirect_dma semaphore(%dma_wait3A_177 : memref<!tpu.dma_semaphore, #tpu.memory_space<semaphore_mem>>) src(%dma_wait3A_175 : memref<100000x128xf32, #tpu.memory_space<hbm>>) dst(%dma_wait3A_170 : memref<128x128xf32, #tpu.memory_space<vmem>>)
    %dma_start3A_178 = arith.constant 2 : i32
    %dma_start3A_179 = arith.constant 2 : i32
    %dma_start3A_180 = arith.constant 0 : i32
    %dma_start3A_181 = arith.constant 0 : i32
    %dma_start3A_182 = tpu.memref_slice %arg9[%dma_start3A_178, %dma_start3A_180, %dma_start3A_181] : memref<6x128x128xf32, #tpu.memory_space<vmem>> -> memref<1x128x128xf32, #tpu.memory_space<vmem>>
    %dma_start3A_183 = tpu.memref_squeeze %dma_start3A_182 : memref<1x128x128xf32, #tpu.memory_space<vmem>> -> memref<128x128xf32, #tpu.memory_space<vmem>>
    %dma_start3A_184 = arith.constant 256 : i32
    %dma_start3A_185 = tpu.memref_slice %arg8[%dma_start3A_184] : memref<1024xi32, #tpu.memory_space<vmem>> -> memref<128xi32, #tpu.memory_space<vmem>>
    %dma_start3A_186 = arith.constant 0 : i32
    %dma_start3A_187 = arith.constant 0 : i32
    %dma_start3A_188 = tpu.memref_slice %arg10[%dma_start3A_186, %dma_start3A_187] : memref<2048x128xf32, #tpu.memory_space<vmem_shared>> -> memref<2048x128xf32, #tpu.memory_space<vmem_shared>>
    %dma_start3A_189 = tpu.memref_slice %arg12[%dma_start3A_179] : memref<6x!tpu.dma_semaphore, #tpu.memory_space<semaphore_mem>> -> memref<1x!tpu.dma_semaphore, #tpu.memory_space<semaphore_mem>>
    %dma_start3A_190 = tpu.memref_squeeze %dma_start3A_189 : memref<1x!tpu.dma_semaphore, #tpu.memory_space<semaphore_mem>> -> memref<!tpu.dma_semaphore, #tpu.memory_space<semaphore_mem>>
    tpu.enqueue_indirect_dma source(%dma_start3A_188 : memref<2048x128xf32, #tpu.memory_space<vmem_shared>>) target(%dma_start3A_183 : memref<128x128xf32, #tpu.memory_space<vmem>>) offsets(%dma_start3A_185 : memref<128xi32, #tpu.memory_space<vmem>>) semaphore(%dma_start3A_190 : memref<!tpu.dma_semaphore, #tpu.memory_space<semaphore_mem>>) {add = true}
    %dma_wait3A_191 = arith.constant 0 : i32
    %dma_wait3A_192 = arith.constant 0 : i32
    %dma_wait3A_193 = arith.constant 0 : i32
    %dma_wait3A_194 = arith.constant 0 : i32
    %dma_wait3A_195 = tpu.memref_slice %arg9[%dma_wait3A_191, %dma_wait3A_193, %dma_wait3A_194] : memref<6x128x128xf32, #tpu.memory_space<vmem>> -> memref<1x128x128xf32, #tpu.memory_space<vmem>>
    %dma_wait3A_196 = tpu.memref_squeeze %dma_wait3A_195 : memref<1x128x128xf32, #tpu.memory_space<vmem>> -> memref<128x128xf32, #tpu.memory_space<vmem>>
    %dma_wait3A_197 = arith.constant 0 : i32
    %dma_wait3A_198 = tpu.memref_slice %arg8[%dma_wait3A_197] : memref<1024xi32, #tpu.memory_space<vmem>> -> memref<128xi32, #tpu.memory_space<vmem>>
    %dma_wait3A_199 = arith.constant 0 : i32
    %dma_wait3A_200 = arith.constant 0 : i32
    %dma_wait3A_201 = tpu.memref_slice %arg10[%dma_wait3A_199, %dma_wait3A_200] : memref<2048x128xf32, #tpu.memory_space<vmem_shared>> -> memref<2048x128xf32, #tpu.memory_space<vmem_shared>>
    %dma_wait3A_202 = tpu.memref_slice %arg12[%dma_wait3A_192] : memref<6x!tpu.dma_semaphore, #tpu.memory_space<semaphore_mem>> -> memref<1x!tpu.dma_semaphore, #tpu.memory_space<semaphore_mem>>
    %dma_wait3A_203 = tpu.memref_squeeze %dma_wait3A_202 : memref<1x!tpu.dma_semaphore, #tpu.memory_space<semaphore_mem>> -> memref<!tpu.dma_semaphore, #tpu.memory_space<semaphore_mem>>
    tpu.wait_indirect_dma semaphore(%dma_wait3A_203 : memref<!tpu.dma_semaphore, #tpu.memory_space<semaphore_mem>>) src(%dma_wait3A_201 : memref<2048x128xf32, #tpu.memory_space<vmem_shared>>) dst(%dma_wait3A_196 : memref<128x128xf32, #tpu.memory_space<vmem>>)
    %add3A_204 = arith.constant 0 : i32
    %add3A_205 = arith.addi %multiple_of3A, %add3A_204 : i32
    %dma_start3A_206 = arith.constant 0 : i32
    %dma_start3A_207 = arith.constant 0 : i32
    %dma_start3A_208 = arith.constant 0 : i32
    %dma_start3A_209 = arith.constant 0 : i32
    %dma_start3A_210 = tpu.memref_slice %arg9[%dma_start3A_206, %dma_start3A_208, %dma_start3A_209] : memref<6x128x128xf32, #tpu.memory_space<vmem>> -> memref<1x128x128xf32, #tpu.memory_space<vmem>>
    %dma_start3A_211 = tpu.memref_squeeze %dma_start3A_210 : memref<1x128x128xf32, #tpu.memory_space<vmem>> -> memref<128x128xf32, #tpu.memory_space<vmem>>
    %dma_start3A_212 = arith.constant 0 : i32
    %dma_start3A_213 = tpu.memref_slice %arg6[%select_n3A, %add3A_205, %dma_start3A_212] : memref<16x2048x128xf32, #tpu.memory_space<hbm>> -> memref<1x128x128xf32, #tpu.memory_space<hbm>>
    %dma_start3A_214 = tpu.memref_squeeze %dma_start3A_213 : memref<1x128x128xf32, #tpu.memory_space<hbm>> -> memref<128x128xf32, #tpu.memory_space<hbm>>
    %dma_start3A_215 = tpu.memref_slice %arg14[%dma_start3A_207] : memref<6x!tpu.dma_semaphore, #tpu.memory_space<semaphore_mem>> -> memref<1x!tpu.dma_semaphore, #tpu.memory_space<semaphore_mem>>
    %dma_start3A_216 = tpu.memref_squeeze %dma_start3A_215 : memref<1x!tpu.dma_semaphore, #tpu.memory_space<semaphore_mem>> -> memref<!tpu.dma_semaphore, #tpu.memory_space<semaphore_mem>>
    %dma_start3A_217 = arith.constant 0 : i32
    %dma_start3A_218 = tpu.memref_slice %arg6[%select_n3A, %add3A_205, %dma_start3A_217] : memref<16x2048x128xf32, #tpu.memory_space<hbm>> -> memref<1x128x128xf32, #tpu.memory_space<hbm>>
    %dma_start3A_219 = tpu.memref_squeeze %dma_start3A_218 : memref<1x128x128xf32, #tpu.memory_space<hbm>> -> memref<128x128xf32, #tpu.memory_space<hbm>>
    %dma_start3A_220 = arith.constant 0 : i32
    %dma_start3A_221 = arith.constant 0 : i32
    %dma_start3A_222 = tpu.memref_slice %arg9[%dma_start3A_206, %dma_start3A_220, %dma_start3A_221] : memref<6x128x128xf32, #tpu.memory_space<vmem>> -> memref<1x128x128xf32, #tpu.memory_space<vmem>>
    %dma_start3A_223 = tpu.memref_squeeze %dma_start3A_222 : memref<1x128x128xf32, #tpu.memory_space<vmem>> -> memref<128x128xf32, #tpu.memory_space<vmem>>
    tpu.enqueue_dma source(%dma_start3A_223 : memref<128x128xf32, #tpu.memory_space<vmem>>) target(%dma_start3A_219 : memref<128x128xf32, #tpu.memory_space<hbm>>) target_semaphore(%dma_start3A_216 : memref<!tpu.dma_semaphore, #tpu.memory_space<semaphore_mem>>)
    %dma_wait3A_224 = arith.constant 3 : i32
    %dma_wait3A_225 = arith.constant 3 : i32
    %dma_wait3A_226 = arith.constant 0 : i32
    %dma_wait3A_227 = arith.constant 0 : i32
    %dma_wait3A_228 = tpu.memref_slice %arg9[%dma_wait3A_224, %dma_wait3A_226, %dma_wait3A_227] : memref<6x128x128xf32, #tpu.memory_space<vmem>> -> memref<1x128x128xf32, #tpu.memory_space<vmem>>
    %dma_wait3A_229 = tpu.memref_squeeze %dma_wait3A_228 : memref<1x128x128xf32, #tpu.memory_space<vmem>> -> memref<128x128xf32, #tpu.memory_space<vmem>>
    %dma_wait3A_230 = arith.constant 384 : i32
    %dma_wait3A_231 = tpu.memref_slice %arg7[%dma_wait3A_230] : memref<1024xi32, #tpu.memory_space<vmem>> -> memref<128xi32, #tpu.memory_space<vmem>>
    %dma_wait3A_232 = arith.constant 0 : i32
    %dma_wait3A_233 = arith.constant 0 : i32
    %dma_wait3A_234 = tpu.memref_slice %arg4[%dma_wait3A_232, %dma_wait3A_233] : memref<100000x128xf32, #tpu.memory_space<hbm>> -> memref<100000x128xf32, #tpu.memory_space<hbm>>
    %dma_wait3A_235 = tpu.memref_slice %arg13[%dma_wait3A_225] : memref<6x!tpu.dma_semaphore, #tpu.memory_space<semaphore_mem>> -> memref<1x!tpu.dma_semaphore, #tpu.memory_space<semaphore_mem>>
    %dma_wait3A_236 = tpu.memref_squeeze %dma_wait3A_235 : memref<1x!tpu.dma_semaphore, #tpu.memory_space<semaphore_mem>> -> memref<!tpu.dma_semaphore, #tpu.memory_space<semaphore_mem>>
    tpu.wait_indirect_dma semaphore(%dma_wait3A_236 : memref<!tpu.dma_semaphore, #tpu.memory_space<semaphore_mem>>) src(%dma_wait3A_234 : memref<100000x128xf32, #tpu.memory_space<hbm>>) dst(%dma_wait3A_229 : memref<128x128xf32, #tpu.memory_space<vmem>>)
    %dma_start3A_237 = arith.constant 3 : i32
    %dma_start3A_238 = arith.constant 3 : i32
    %dma_start3A_239 = arith.constant 0 : i32
    %dma_start3A_240 = arith.constant 0 : i32
    %dma_start3A_241 = tpu.memref_slice %arg9[%dma_start3A_237, %dma_start3A_239, %dma_start3A_240] : memref<6x128x128xf32, #tpu.memory_space<vmem>> -> memref<1x128x128xf32, #tpu.memory_space<vmem>>
    %dma_start3A_242 = tpu.memref_squeeze %dma_start3A_241 : memref<1x128x128xf32, #tpu.memory_space<vmem>> -> memref<128x128xf32, #tpu.memory_space<vmem>>
    %dma_start3A_243 = arith.constant 384 : i32
    %dma_start3A_244 = tpu.memref_slice %arg8[%dma_start3A_243] : memref<1024xi32, #tpu.memory_space<vmem>> -> memref<128xi32, #tpu.memory_space<vmem>>
    %dma_start3A_245 = arith.constant 0 : i32
    %dma_start3A_246 = arith.constant 0 : i32
    %dma_start3A_247 = tpu.memref_slice %arg10[%dma_start3A_245, %dma_start3A_246] : memref<2048x128xf32, #tpu.memory_space<vmem_shared>> -> memref<2048x128xf32, #tpu.memory_space<vmem_shared>>
    %dma_start3A_248 = tpu.memref_slice %arg12[%dma_start3A_238] : memref<6x!tpu.dma_semaphore, #tpu.memory_space<semaphore_mem>> -> memref<1x!tpu.dma_semaphore, #tpu.memory_space<semaphore_mem>>
    %dma_start3A_249 = tpu.memref_squeeze %dma_start3A_248 : memref<1x!tpu.dma_semaphore, #tpu.memory_space<semaphore_mem>> -> memref<!tpu.dma_semaphore, #tpu.memory_space<semaphore_mem>>
    tpu.enqueue_indirect_dma source(%dma_start3A_247 : memref<2048x128xf32, #tpu.memory_space<vmem_shared>>) target(%dma_start3A_242 : memref<128x128xf32, #tpu.memory_space<vmem>>) offsets(%dma_start3A_244 : memref<128xi32, #tpu.memory_space<vmem>>) semaphore(%dma_start3A_249 : memref<!tpu.dma_semaphore, #tpu.memory_space<semaphore_mem>>) {add = true}
    %dma_wait3A_250 = arith.constant 1 : i32
    %dma_wait3A_251 = arith.constant 1 : i32
    %dma_wait3A_252 = arith.constant 0 : i32
    %dma_wait3A_253 = arith.constant 0 : i32
    %dma_wait3A_254 = tpu.memref_slice %arg9[%dma_wait3A_250, %dma_wait3A_252, %dma_wait3A_253] : memref<6x128x128xf32, #tpu.memory_space<vmem>> -> memref<1x128x128xf32, #tpu.memory_space<vmem>>
    %dma_wait3A_255 = tpu.memref_squeeze %dma_wait3A_254 : memref<1x128x128xf32, #tpu.memory_space<vmem>> -> memref<128x128xf32, #tpu.memory_space<vmem>>
    %dma_wait3A_256 = arith.constant 128 : i32
    %dma_wait3A_257 = tpu.memref_slice %arg8[%dma_wait3A_256] : memref<1024xi32, #tpu.memory_space<vmem>> -> memref<128xi32, #tpu.memory_space<vmem>>
    %dma_wait3A_258 = arith.constant 0 : i32
    %dma_wait3A_259 = arith.constant 0 : i32
    %dma_wait3A_260 = tpu.memref_slice %arg10[%dma_wait3A_258, %dma_wait3A_259] : memref<2048x128xf32, #tpu.memory_space<vmem_shared>> -> memref<2048x128xf32, #tpu.memory_space<vmem_shared>>
    %dma_wait3A_261 = tpu.memref_slice %arg12[%dma_wait3A_251] : memref<6x!tpu.dma_semaphore, #tpu.memory_space<semaphore_mem>> -> memref<1x!tpu.dma_semaphore, #tpu.memory_space<semaphore_mem>>
    %dma_wait3A_262 = tpu.memref_squeeze %dma_wait3A_261 : memref<1x!tpu.dma_semaphore, #tpu.memory_space<semaphore_mem>> -> memref<!tpu.dma_semaphore, #tpu.memory_space<semaphore_mem>>
    tpu.wait_indirect_dma semaphore(%dma_wait3A_262 : memref<!tpu.dma_semaphore, #tpu.memory_space<semaphore_mem>>) src(%dma_wait3A_260 : memref<2048x128xf32, #tpu.memory_space<vmem_shared>>) dst(%dma_wait3A_255 : memref<128x128xf32, #tpu.memory_space<vmem>>)
    %add3A_263 = arith.constant 128 : i32
    %add3A_264 = arith.addi %multiple_of3A, %add3A_263 : i32
    %dma_start3A_265 = arith.constant 1 : i32
    %dma_start3A_266 = arith.constant 1 : i32
    %dma_start3A_267 = arith.constant 0 : i32
    %dma_start3A_268 = arith.constant 0 : i32
    %dma_start3A_269 = tpu.memref_slice %arg9[%dma_start3A_265, %dma_start3A_267, %dma_start3A_268] : memref<6x128x128xf32, #tpu.memory_space<vmem>> -> memref<1x128x128xf32, #tpu.memory_space<vmem>>
    %dma_start3A_270 = tpu.memref_squeeze %dma_start3A_269 : memref<1x128x128xf32, #tpu.memory_space<vmem>> -> memref<128x128xf32, #tpu.memory_space<vmem>>
    %dma_start3A_271 = arith.constant 0 : i32
    %dma_start3A_272 = tpu.memref_slice %arg6[%select_n3A, %add3A_264, %dma_start3A_271] : memref<16x2048x128xf32, #tpu.memory_space<hbm>> -> memref<1x128x128xf32, #tpu.memory_space<hbm>>
    %dma_start3A_273 = tpu.memref_squeeze %dma_start3A_272 : memref<1x128x128xf32, #tpu.memory_space<hbm>> -> memref<128x128xf32, #tpu.memory_space<hbm>>
    %dma_start3A_274 = tpu.memref_slice %arg14[%dma_start3A_266] : memref<6x!tpu.dma_semaphore, #tpu.memory_space<semaphore_mem>> -> memref<1x!tpu.dma_semaphore, #tpu.memory_space<semaphore_mem>>
    %dma_start3A_275 = tpu.memref_squeeze %dma_start3A_274 : memref<1x!tpu.dma_semaphore, #tpu.memory_space<semaphore_mem>> -> memref<!tpu.dma_semaphore, #tpu.memory_space<semaphore_mem>>
    %dma_start3A_276 = arith.constant 0 : i32
    %dma_start3A_277 = tpu.memref_slice %arg6[%select_n3A, %add3A_264, %dma_start3A_276] : memref<16x2048x128xf32, #tpu.memory_space<hbm>> -> memref<1x128x128xf32, #tpu.memory_space<hbm>>
    %dma_start3A_278 = tpu.memref_squeeze %dma_start3A_277 : memref<1x128x128xf32, #tpu.memory_space<hbm>> -> memref<128x128xf32, #tpu.memory_space<hbm>>
    %dma_start3A_279 = arith.constant 0 : i32
    %dma_start3A_280 = arith.constant 0 : i32
    %dma_start3A_281 = tpu.memref_slice %arg9[%dma_start3A_265, %dma_start3A_279, %dma_start3A_280] : memref<6x128x128xf32, #tpu.memory_space<vmem>> -> memref<1x128x128xf32, #tpu.memory_space<vmem>>
    %dma_start3A_282 = tpu.memref_squeeze %dma_start3A_281 : memref<1x128x128xf32, #tpu.memory_space<vmem>> -> memref<128x128xf32, #tpu.memory_space<vmem>>
    tpu.enqueue_dma source(%dma_start3A_282 : memref<128x128xf32, #tpu.memory_space<vmem>>) target(%dma_start3A_278 : memref<128x128xf32, #tpu.memory_space<hbm>>) target_semaphore(%dma_start3A_275 : memref<!tpu.dma_semaphore, #tpu.memory_space<semaphore_mem>>)
    %dma_wait3A_283 = arith.constant 0 : i32
    %dma_wait3A_284 = arith.constant 0 : i32
    %dma_wait3A_285 = arith.constant 0 : i32
    %dma_wait3A_286 = arith.constant 0 : i32
    %dma_wait3A_287 = tpu.memref_slice %arg9[%dma_wait3A_283, %dma_wait3A_285, %dma_wait3A_286] : memref<6x128x128xf32, #tpu.memory_space<vmem>> -> memref<1x128x128xf32, #tpu.memory_space<vmem>>
    %dma_wait3A_288 = tpu.memref_squeeze %dma_wait3A_287 : memref<1x128x128xf32, #tpu.memory_space<vmem>> -> memref<128x128xf32, #tpu.memory_space<vmem>>
    %dma_wait3A_289 = arith.constant 0 : i32
    %dma_wait3A_290 = tpu.memref_slice %arg6[%select_n3A, %add3A_205, %dma_wait3A_289] : memref<16x2048x128xf32, #tpu.memory_space<hbm>> -> memref<1x128x128xf32, #tpu.memory_space<hbm>>
    %dma_wait3A_291 = tpu.memref_squeeze %dma_wait3A_290 : memref<1x128x128xf32, #tpu.memory_space<hbm>> -> memref<128x128xf32, #tpu.memory_space<hbm>>
    %dma_wait3A_292 = tpu.memref_slice %arg14[%dma_wait3A_284] : memref<6x!tpu.dma_semaphore, #tpu.memory_space<semaphore_mem>> -> memref<1x!tpu.dma_semaphore, #tpu.memory_space<semaphore_mem>>
    %dma_wait3A_293 = tpu.memref_squeeze %dma_wait3A_292 : memref<1x!tpu.dma_semaphore, #tpu.memory_space<semaphore_mem>> -> memref<!tpu.dma_semaphore, #tpu.memory_space<semaphore_mem>>
    %dma_wait3A_294 = arith.constant 0 : i32
    %dma_wait3A_295 = tpu.memref_slice %arg6[%select_n3A, %add3A_205, %dma_wait3A_294] : memref<16x2048x128xf32, #tpu.memory_space<hbm>> -> memref<1x128x128xf32, #tpu.memory_space<hbm>>
    %dma_wait3A_296 = tpu.memref_squeeze %dma_wait3A_295 : memref<1x128x128xf32, #tpu.memory_space<hbm>> -> memref<128x128xf32, #tpu.memory_space<hbm>>
    %dma_wait3A_297 = arith.constant 0 : i32
    %dma_wait3A_298 = arith.constant 0 : i32
    %dma_wait3A_299 = tpu.memref_slice %arg9[%dma_wait3A_283, %dma_wait3A_297, %dma_wait3A_298] : memref<6x128x128xf32, #tpu.memory_space<vmem>> -> memref<1x128x128xf32, #tpu.memory_space<vmem>>
    %dma_wait3A_300 = tpu.memref_squeeze %dma_wait3A_299 : memref<1x128x128xf32, #tpu.memory_space<vmem>> -> memref<128x128xf32, #tpu.memory_space<vmem>>
    tpu.wait_dma2 semaphore(%dma_wait3A_293 : memref<!tpu.dma_semaphore, #tpu.memory_space<semaphore_mem>>) src(%dma_wait3A_300 : memref<128x128xf32, #tpu.memory_space<vmem>>) dst(%dma_wait3A_296 : memref<128x128xf32, #tpu.memory_space<hbm>>)
    %dma_start3A_301 = arith.constant 0 : i32
    %dma_start3A_302 = arith.constant 0 : i32
    %dma_start3A_303 = arith.constant 0 : i32
    %dma_start3A_304 = arith.constant 0 : i32
    %dma_start3A_305 = tpu.memref_slice %arg9[%dma_start3A_301, %dma_start3A_303, %dma_start3A_304] : memref<6x128x128xf32, #tpu.memory_space<vmem>> -> memref<1x128x128xf32, #tpu.memory_space<vmem>>
    %dma_start3A_306 = tpu.memref_squeeze %dma_start3A_305 : memref<1x128x128xf32, #tpu.memory_space<vmem>> -> memref<128x128xf32, #tpu.memory_space<vmem>>
    %dma_start3A_307 = arith.constant 768 : i32
    %dma_start3A_308 = tpu.memref_slice %arg7[%dma_start3A_307] : memref<1024xi32, #tpu.memory_space<vmem>> -> memref<128xi32, #tpu.memory_space<vmem>>
    %dma_start3A_309 = arith.constant 0 : i32
    %dma_start3A_310 = arith.constant 0 : i32
    %dma_start3A_311 = tpu.memref_slice %arg4[%dma_start3A_309, %dma_start3A_310] : memref<100000x128xf32, #tpu.memory_space<hbm>> -> memref<100000x128xf32, #tpu.memory_space<hbm>>
    %dma_start3A_312 = tpu.memref_slice %arg13[%dma_start3A_302] : memref<6x!tpu.dma_semaphore, #tpu.memory_space<semaphore_mem>> -> memref<1x!tpu.dma_semaphore, #tpu.memory_space<semaphore_mem>>
    %dma_start3A_313 = tpu.memref_squeeze %dma_start3A_312 : memref<1x!tpu.dma_semaphore, #tpu.memory_space<semaphore_mem>> -> memref<!tpu.dma_semaphore, #tpu.memory_space<semaphore_mem>>
    tpu.enqueue_indirect_dma source(%dma_start3A_311 : memref<100000x128xf32, #tpu.memory_space<hbm>>) target(%dma_start3A_306 : memref<128x128xf32, #tpu.memory_space<vmem>>) offsets(%dma_start3A_308 : memref<128xi32, #tpu.memory_space<vmem>>) semaphore(%dma_start3A_313 : memref<!tpu.dma_semaphore, #tpu.memory_space<semaphore_mem>>)
    %dma_wait3A_314 = arith.constant 4 : i32
    %dma_wait3A_315 = arith.constant 4 : i32
    %dma_wait3A_316 = arith.constant 0 : i32
    %dma_wait3A_317 = arith.constant 0 : i32
    %dma_wait3A_318 = tpu.memref_slice %arg9[%dma_wait3A_314, %dma_wait3A_316, %dma_wait3A_317] : memref<6x128x128xf32, #tpu.memory_space<vmem>> -> memref<1x128x128xf32, #tpu.memory_space<vmem>>
    %dma_wait3A_319 = tpu.memref_squeeze %dma_wait3A_318 : memref<1x128x128xf32, #tpu.memory_space<vmem>> -> memref<128x128xf32, #tpu.memory_space<vmem>>
    %dma_wait3A_320 = arith.constant 512 : i32
    %dma_wait3A_321 = tpu.memref_slice %arg7[%dma_wait3A_320] : memref<1024xi32, #tpu.memory_space<vmem>> -> memref<128xi32, #tpu.memory_space<vmem>>
    %dma_wait3A_322 = arith.constant 0 : i32
    %dma_wait3A_323 = arith.constant 0 : i32
    %dma_wait3A_324 = tpu.memref_slice %arg4[%dma_wait3A_322, %dma_wait3A_323] : memref<100000x128xf32, #tpu.memory_space<hbm>> -> memref<100000x128xf32, #tpu.memory_space<hbm>>
    %dma_wait3A_325 = tpu.memref_slice %arg13[%dma_wait3A_315] : memref<6x!tpu.dma_semaphore, #tpu.memory_space<semaphore_mem>> -> memref<1x!tpu.dma_semaphore, #tpu.memory_space<semaphore_mem>>
    %dma_wait3A_326 = tpu.memref_squeeze %dma_wait3A_325 : memref<1x!tpu.dma_semaphore, #tpu.memory_space<semaphore_mem>> -> memref<!tpu.dma_semaphore, #tpu.memory_space<semaphore_mem>>
    tpu.wait_indirect_dma semaphore(%dma_wait3A_326 : memref<!tpu.dma_semaphore, #tpu.memory_space<semaphore_mem>>) src(%dma_wait3A_324 : memref<100000x128xf32, #tpu.memory_space<hbm>>) dst(%dma_wait3A_319 : memref<128x128xf32, #tpu.memory_space<vmem>>)
    %dma_start3A_327 = arith.constant 4 : i32
    %dma_start3A_328 = arith.constant 4 : i32
    %dma_start3A_329 = arith.constant 0 : i32
    %dma_start3A_330 = arith.constant 0 : i32
    %dma_start3A_331 = tpu.memref_slice %arg9[%dma_start3A_327, %dma_start3A_329, %dma_start3A_330] : memref<6x128x128xf32, #tpu.memory_space<vmem>> -> memref<1x128x128xf32, #tpu.memory_space<vmem>>
    %dma_start3A_332 = tpu.memref_squeeze %dma_start3A_331 : memref<1x128x128xf32, #tpu.memory_space<vmem>> -> memref<128x128xf32, #tpu.memory_space<vmem>>
    %dma_start3A_333 = arith.constant 512 : i32
    %dma_start3A_334 = tpu.memref_slice %arg8[%dma_start3A_333] : memref<1024xi32, #tpu.memory_space<vmem>> -> memref<128xi32, #tpu.memory_space<vmem>>
    %dma_start3A_335 = arith.constant 0 : i32
    %dma_start3A_336 = arith.constant 0 : i32
    %dma_start3A_337 = tpu.memref_slice %arg10[%dma_start3A_335, %dma_start3A_336] : memref<2048x128xf32, #tpu.memory_space<vmem_shared>> -> memref<2048x128xf32, #tpu.memory_space<vmem_shared>>
    %dma_start3A_338 = tpu.memref_slice %arg12[%dma_start3A_328] : memref<6x!tpu.dma_semaphore, #tpu.memory_space<semaphore_mem>> -> memref<1x!tpu.dma_semaphore, #tpu.memory_space<semaphore_mem>>
    %dma_start3A_339 = tpu.memref_squeeze %dma_start3A_338 : memref<1x!tpu.dma_semaphore, #tpu.memory_space<semaphore_mem>> -> memref<!tpu.dma_semaphore, #tpu.memory_space<semaphore_mem>>
    tpu.enqueue_indirect_dma source(%dma_start3A_337 : memref<2048x128xf32, #tpu.memory_space<vmem_shared>>) target(%dma_start3A_332 : memref<128x128xf32, #tpu.memory_space<vmem>>) offsets(%dma_start3A_334 : memref<128xi32, #tpu.memory_space<vmem>>) semaphore(%dma_start3A_339 : memref<!tpu.dma_semaphore, #tpu.memory_space<semaphore_mem>>) {add = true}
    %dma_wait3A_340 = arith.constant 2 : i32
    %dma_wait3A_341 = arith.constant 2 : i32
    %dma_wait3A_342 = arith.constant 0 : i32
    %dma_wait3A_343 = arith.constant 0 : i32
    %dma_wait3A_344 = tpu.memref_slice %arg9[%dma_wait3A_340, %dma_wait3A_342, %dma_wait3A_343] : memref<6x128x128xf32, #tpu.memory_space<vmem>> -> memref<1x128x128xf32, #tpu.memory_space<vmem>>
    %dma_wait3A_345 = tpu.memref_squeeze %dma_wait3A_344 : memref<1x128x128xf32, #tpu.memory_space<vmem>> -> memref<128x128xf32, #tpu.memory_space<vmem>>
    %dma_wait3A_346 = arith.constant 256 : i32
    %dma_wait3A_347 = tpu.memref_slice %arg8[%dma_wait3A_346] : memref<1024xi32, #tpu.memory_space<vmem>> -> memref<128xi32, #tpu.memory_space<vmem>>
    %dma_wait3A_348 = arith.constant 0 : i32
    %dma_wait3A_349 = arith.constant 0 : i32
    %dma_wait3A_350 = tpu.memref_slice %arg10[%dma_wait3A_348, %dma_wait3A_349] : memref<2048x128xf32, #tpu.memory_space<vmem_shared>> -> memref<2048x128xf32, #tpu.memory_space<vmem_shared>>
    %dma_wait3A_351 = tpu.memref_slice %arg12[%dma_wait3A_341] : memref<6x!tpu.dma_semaphore, #tpu.memory_space<semaphore_mem>> -> memref<1x!tpu.dma_semaphore, #tpu.memory_space<semaphore_mem>>
    %dma_wait3A_352 = tpu.memref_squeeze %dma_wait3A_351 : memref<1x!tpu.dma_semaphore, #tpu.memory_space<semaphore_mem>> -> memref<!tpu.dma_semaphore, #tpu.memory_space<semaphore_mem>>
    tpu.wait_indirect_dma semaphore(%dma_wait3A_352 : memref<!tpu.dma_semaphore, #tpu.memory_space<semaphore_mem>>) src(%dma_wait3A_350 : memref<2048x128xf32, #tpu.memory_space<vmem_shared>>) dst(%dma_wait3A_345 : memref<128x128xf32, #tpu.memory_space<vmem>>)
    %add3A_353 = arith.constant 256 : i32
    %add3A_354 = arith.addi %multiple_of3A, %add3A_353 : i32
    %dma_start3A_355 = arith.constant 2 : i32
    %dma_start3A_356 = arith.constant 2 : i32
    %dma_start3A_357 = arith.constant 0 : i32
    %dma_start3A_358 = arith.constant 0 : i32
    %dma_start3A_359 = tpu.memref_slice %arg9[%dma_start3A_355, %dma_start3A_357, %dma_start3A_358] : memref<6x128x128xf32, #tpu.memory_space<vmem>> -> memref<1x128x128xf32, #tpu.memory_space<vmem>>
    %dma_start3A_360 = tpu.memref_squeeze %dma_start3A_359 : memref<1x128x128xf32, #tpu.memory_space<vmem>> -> memref<128x128xf32, #tpu.memory_space<vmem>>
    %dma_start3A_361 = arith.constant 0 : i32
    %dma_start3A_362 = tpu.memref_slice %arg6[%select_n3A, %add3A_354, %dma_start3A_361] : memref<16x2048x128xf32, #tpu.memory_space<hbm>> -> memref<1x128x128xf32, #tpu.memory_space<hbm>>
    %dma_start3A_363 = tpu.memref_squeeze %dma_start3A_362 : memref<1x128x128xf32, #tpu.memory_space<hbm>> -> memref<128x128xf32, #tpu.memory_space<hbm>>
    %dma_start3A_364 = tpu.memref_slice %arg14[%dma_start3A_356] : memref<6x!tpu.dma_semaphore, #tpu.memory_space<semaphore_mem>> -> memref<1x!tpu.dma_semaphore, #tpu.memory_space<semaphore_mem>>
    %dma_start3A_365 = tpu.memref_squeeze %dma_start3A_364 : memref<1x!tpu.dma_semaphore, #tpu.memory_space<semaphore_mem>> -> memref<!tpu.dma_semaphore, #tpu.memory_space<semaphore_mem>>
    %dma_start3A_366 = arith.constant 0 : i32
    %dma_start3A_367 = tpu.memref_slice %arg6[%select_n3A, %add3A_354, %dma_start3A_366] : memref<16x2048x128xf32, #tpu.memory_space<hbm>> -> memref<1x128x128xf32, #tpu.memory_space<hbm>>
    %dma_start3A_368 = tpu.memref_squeeze %dma_start3A_367 : memref<1x128x128xf32, #tpu.memory_space<hbm>> -> memref<128x128xf32, #tpu.memory_space<hbm>>
    %dma_start3A_369 = arith.constant 0 : i32
    %dma_start3A_370 = arith.constant 0 : i32
    %dma_start3A_371 = tpu.memref_slice %arg9[%dma_start3A_355, %dma_start3A_369, %dma_start3A_370] : memref<6x128x128xf32, #tpu.memory_space<vmem>> -> memref<1x128x128xf32, #tpu.memory_space<vmem>>
    %dma_start3A_372 = tpu.memref_squeeze %dma_start3A_371 : memref<1x128x128xf32, #tpu.memory_space<vmem>> -> memref<128x128xf32, #tpu.memory_space<vmem>>
    tpu.enqueue_dma source(%dma_start3A_372 : memref<128x128xf32, #tpu.memory_space<vmem>>) target(%dma_start3A_368 : memref<128x128xf32, #tpu.memory_space<hbm>>) target_semaphore(%dma_start3A_365 : memref<!tpu.dma_semaphore, #tpu.memory_space<semaphore_mem>>)
    %dma_wait3A_373 = arith.constant 1 : i32
    %dma_wait3A_374 = arith.constant 1 : i32
    %dma_wait3A_375 = arith.constant 0 : i32
    %dma_wait3A_376 = arith.constant 0 : i32
    %dma_wait3A_377 = tpu.memref_slice %arg9[%dma_wait3A_373, %dma_wait3A_375, %dma_wait3A_376] : memref<6x128x128xf32, #tpu.memory_space<vmem>> -> memref<1x128x128xf32, #tpu.memory_space<vmem>>
    %dma_wait3A_378 = tpu.memref_squeeze %dma_wait3A_377 : memref<1x128x128xf32, #tpu.memory_space<vmem>> -> memref<128x128xf32, #tpu.memory_space<vmem>>
    %dma_wait3A_379 = arith.constant 0 : i32
    %dma_wait3A_380 = tpu.memref_slice %arg6[%select_n3A, %add3A_264, %dma_wait3A_379] : memref<16x2048x128xf32, #tpu.memory_space<hbm>> -> memref<1x128x128xf32, #tpu.memory_space<hbm>>
    %dma_wait3A_381 = tpu.memref_squeeze %dma_wait3A_380 : memref<1x128x128xf32, #tpu.memory_space<hbm>> -> memref<128x128xf32, #tpu.memory_space<hbm>>
    %dma_wait3A_382 = tpu.memref_slice %arg14[%dma_wait3A_374] : memref<6x!tpu.dma_semaphore, #tpu.memory_space<semaphore_mem>> -> memref<1x!tpu.dma_semaphore, #tpu.memory_space<semaphore_mem>>
    %dma_wait3A_383 = tpu.memref_squeeze %dma_wait3A_382 : memref<1x!tpu.dma_semaphore, #tpu.memory_space<semaphore_mem>> -> memref<!tpu.dma_semaphore, #tpu.memory_space<semaphore_mem>>
    %dma_wait3A_384 = arith.constant 0 : i32
    %dma_wait3A_385 = tpu.memref_slice %arg6[%select_n3A, %add3A_264, %dma_wait3A_384] : memref<16x2048x128xf32, #tpu.memory_space<hbm>> -> memref<1x128x128xf32, #tpu.memory_space<hbm>>
    %dma_wait3A_386 = tpu.memref_squeeze %dma_wait3A_385 : memref<1x128x128xf32, #tpu.memory_space<hbm>> -> memref<128x128xf32, #tpu.memory_space<hbm>>
    %dma_wait3A_387 = arith.constant 0 : i32
    %dma_wait3A_388 = arith.constant 0 : i32
    %dma_wait3A_389 = tpu.memref_slice %arg9[%dma_wait3A_373, %dma_wait3A_387, %dma_wait3A_388] : memref<6x128x128xf32, #tpu.memory_space<vmem>> -> memref<1x128x128xf32, #tpu.memory_space<vmem>>
    %dma_wait3A_390 = tpu.memref_squeeze %dma_wait3A_389 : memref<1x128x128xf32, #tpu.memory_space<vmem>> -> memref<128x128xf32, #tpu.memory_space<vmem>>
    tpu.wait_dma2 semaphore(%dma_wait3A_383 : memref<!tpu.dma_semaphore, #tpu.memory_space<semaphore_mem>>) src(%dma_wait3A_390 : memref<128x128xf32, #tpu.memory_space<vmem>>) dst(%dma_wait3A_386 : memref<128x128xf32, #tpu.memory_space<hbm>>)
    %dma_start3A_391 = arith.constant 1 : i32
    %dma_start3A_392 = arith.constant 1 : i32
    %dma_start3A_393 = arith.constant 0 : i32
    %dma_start3A_394 = arith.constant 0 : i32
    %dma_start3A_395 = tpu.memref_slice %arg9[%dma_start3A_391, %dma_start3A_393, %dma_start3A_394] : memref<6x128x128xf32, #tpu.memory_space<vmem>> -> memref<1x128x128xf32, #tpu.memory_space<vmem>>
    %dma_start3A_396 = tpu.memref_squeeze %dma_start3A_395 : memref<1x128x128xf32, #tpu.memory_space<vmem>> -> memref<128x128xf32, #tpu.memory_space<vmem>>
    %dma_start3A_397 = arith.constant 896 : i32
    %dma_start3A_398 = tpu.memref_slice %arg7[%dma_start3A_397] : memref<1024xi32, #tpu.memory_space<vmem>> -> memref<128xi32, #tpu.memory_space<vmem>>
    %dma_start3A_399 = arith.constant 0 : i32
    %dma_start3A_400 = arith.constant 0 : i32
    %dma_start3A_401 = tpu.memref_slice %arg4[%dma_start3A_399, %dma_start3A_400] : memref<100000x128xf32, #tpu.memory_space<hbm>> -> memref<100000x128xf32, #tpu.memory_space<hbm>>
    %dma_start3A_402 = tpu.memref_slice %arg13[%dma_start3A_392] : memref<6x!tpu.dma_semaphore, #tpu.memory_space<semaphore_mem>> -> memref<1x!tpu.dma_semaphore, #tpu.memory_space<semaphore_mem>>
    %dma_start3A_403 = tpu.memref_squeeze %dma_start3A_402 : memref<1x!tpu.dma_semaphore, #tpu.memory_space<semaphore_mem>> -> memref<!tpu.dma_semaphore, #tpu.memory_space<semaphore_mem>>
    tpu.enqueue_indirect_dma source(%dma_start3A_401 : memref<100000x128xf32, #tpu.memory_space<hbm>>) target(%dma_start3A_396 : memref<128x128xf32, #tpu.memory_space<vmem>>) offsets(%dma_start3A_398 : memref<128xi32, #tpu.memory_space<vmem>>) semaphore(%dma_start3A_403 : memref<!tpu.dma_semaphore, #tpu.memory_space<semaphore_mem>>)
    %dma_wait3A_404 = arith.constant 5 : i32
    %dma_wait3A_405 = arith.constant 5 : i32
    %dma_wait3A_406 = arith.constant 0 : i32
    %dma_wait3A_407 = arith.constant 0 : i32
    %dma_wait3A_408 = tpu.memref_slice %arg9[%dma_wait3A_404, %dma_wait3A_406, %dma_wait3A_407] : memref<6x128x128xf32, #tpu.memory_space<vmem>> -> memref<1x128x128xf32, #tpu.memory_space<vmem>>
    %dma_wait3A_409 = tpu.memref_squeeze %dma_wait3A_408 : memref<1x128x128xf32, #tpu.memory_space<vmem>> -> memref<128x128xf32, #tpu.memory_space<vmem>>
    %dma_wait3A_410 = arith.constant 640 : i32
    %dma_wait3A_411 = tpu.memref_slice %arg7[%dma_wait3A_410] : memref<1024xi32, #tpu.memory_space<vmem>> -> memref<128xi32, #tpu.memory_space<vmem>>
    %dma_wait3A_412 = arith.constant 0 : i32
    %dma_wait3A_413 = arith.constant 0 : i32
    %dma_wait3A_414 = tpu.memref_slice %arg4[%dma_wait3A_412, %dma_wait3A_413] : memref<100000x128xf32, #tpu.memory_space<hbm>> -> memref<100000x128xf32, #tpu.memory_space<hbm>>
    %dma_wait3A_415 = tpu.memref_slice %arg13[%dma_wait3A_405] : memref<6x!tpu.dma_semaphore, #tpu.memory_space<semaphore_mem>> -> memref<1x!tpu.dma_semaphore, #tpu.memory_space<semaphore_mem>>
    %dma_wait3A_416 = tpu.memref_squeeze %dma_wait3A_415 : memref<1x!tpu.dma_semaphore, #tpu.memory_space<semaphore_mem>> -> memref<!tpu.dma_semaphore, #tpu.memory_space<semaphore_mem>>
    tpu.wait_indirect_dma semaphore(%dma_wait3A_416 : memref<!tpu.dma_semaphore, #tpu.memory_space<semaphore_mem>>) src(%dma_wait3A_414 : memref<100000x128xf32, #tpu.memory_space<hbm>>) dst(%dma_wait3A_409 : memref<128x128xf32, #tpu.memory_space<vmem>>)
    %dma_start3A_417 = arith.constant 5 : i32
    %dma_start3A_418 = arith.constant 5 : i32
    %dma_start3A_419 = arith.constant 0 : i32
    %dma_start3A_420 = arith.constant 0 : i32
    %dma_start3A_421 = tpu.memref_slice %arg9[%dma_start3A_417, %dma_start3A_419, %dma_start3A_420] : memref<6x128x128xf32, #tpu.memory_space<vmem>> -> memref<1x128x128xf32, #tpu.memory_space<vmem>>
    %dma_start3A_422 = tpu.memref_squeeze %dma_start3A_421 : memref<1x128x128xf32, #tpu.memory_space<vmem>> -> memref<128x128xf32, #tpu.memory_space<vmem>>
    %dma_start3A_423 = arith.constant 640 : i32
    %dma_start3A_424 = tpu.memref_slice %arg8[%dma_start3A_423] : memref<1024xi32, #tpu.memory_space<vmem>> -> memref<128xi32, #tpu.memory_space<vmem>>
    %dma_start3A_425 = arith.constant 0 : i32
    %dma_start3A_426 = arith.constant 0 : i32
    %dma_start3A_427 = tpu.memref_slice %arg10[%dma_start3A_425, %dma_start3A_426] : memref<2048x128xf32, #tpu.memory_space<vmem_shared>> -> memref<2048x128xf32, #tpu.memory_space<vmem_shared>>
    %dma_start3A_428 = tpu.memref_slice %arg12[%dma_start3A_418] : memref<6x!tpu.dma_semaphore, #tpu.memory_space<semaphore_mem>> -> memref<1x!tpu.dma_semaphore, #tpu.memory_space<semaphore_mem>>
    %dma_start3A_429 = tpu.memref_squeeze %dma_start3A_428 : memref<1x!tpu.dma_semaphore, #tpu.memory_space<semaphore_mem>> -> memref<!tpu.dma_semaphore, #tpu.memory_space<semaphore_mem>>
    tpu.enqueue_indirect_dma source(%dma_start3A_427 : memref<2048x128xf32, #tpu.memory_space<vmem_shared>>) target(%dma_start3A_422 : memref<128x128xf32, #tpu.memory_space<vmem>>) offsets(%dma_start3A_424 : memref<128xi32, #tpu.memory_space<vmem>>) semaphore(%dma_start3A_429 : memref<!tpu.dma_semaphore, #tpu.memory_space<semaphore_mem>>) {add = true}
    %dma_wait3A_430 = arith.constant 3 : i32
    %dma_wait3A_431 = arith.constant 3 : i32
    %dma_wait3A_432 = arith.constant 0 : i32
    %dma_wait3A_433 = arith.constant 0 : i32
    %dma_wait3A_434 = tpu.memref_slice %arg9[%dma_wait3A_430, %dma_wait3A_432, %dma_wait3A_433] : memref<6x128x128xf32, #tpu.memory_space<vmem>> -> memref<1x128x128xf32, #tpu.memory_space<vmem>>
    %dma_wait3A_435 = tpu.memref_squeeze %dma_wait3A_434 : memref<1x128x128xf32, #tpu.memory_space<vmem>> -> memref<128x128xf32, #tpu.memory_space<vmem>>
    %dma_wait3A_436 = arith.constant 384 : i32
    %dma_wait3A_437 = tpu.memref_slice %arg8[%dma_wait3A_436] : memref<1024xi32, #tpu.memory_space<vmem>> -> memref<128xi32, #tpu.memory_space<vmem>>
    %dma_wait3A_438 = arith.constant 0 : i32
    %dma_wait3A_439 = arith.constant 0 : i32
    %dma_wait3A_440 = tpu.memref_slice %arg10[%dma_wait3A_438, %dma_wait3A_439] : memref<2048x128xf32, #tpu.memory_space<vmem_shared>> -> memref<2048x128xf32, #tpu.memory_space<vmem_shared>>
    %dma_wait3A_441 = tpu.memref_slice %arg12[%dma_wait3A_431] : memref<6x!tpu.dma_semaphore, #tpu.memory_space<semaphore_mem>> -> memref<1x!tpu.dma_semaphore, #tpu.memory_space<semaphore_mem>>
    %dma_wait3A_442 = tpu.memref_squeeze %dma_wait3A_441 : memref<1x!tpu.dma_semaphore, #tpu.memory_space<semaphore_mem>> -> memref<!tpu.dma_semaphore, #tpu.memory_space<semaphore_mem>>
    tpu.wait_indirect_dma semaphore(%dma_wait3A_442 : memref<!tpu.dma_semaphore, #tpu.memory_space<semaphore_mem>>) src(%dma_wait3A_440 : memref<2048x128xf32, #tpu.memory_space<vmem_shared>>) dst(%dma_wait3A_435 : memref<128x128xf32, #tpu.memory_space<vmem>>)
    %add3A_443 = arith.constant 384 : i32
    %add3A_444 = arith.addi %multiple_of3A, %add3A_443 : i32
    %dma_start3A_445 = arith.constant 3 : i32
    %dma_start3A_446 = arith.constant 3 : i32
    %dma_start3A_447 = arith.constant 0 : i32
    %dma_start3A_448 = arith.constant 0 : i32
    %dma_start3A_449 = tpu.memref_slice %arg9[%dma_start3A_445, %dma_start3A_447, %dma_start3A_448] : memref<6x128x128xf32, #tpu.memory_space<vmem>> -> memref<1x128x128xf32, #tpu.memory_space<vmem>>
    %dma_start3A_450 = tpu.memref_squeeze %dma_start3A_449 : memref<1x128x128xf32, #tpu.memory_space<vmem>> -> memref<128x128xf32, #tpu.memory_space<vmem>>
    %dma_start3A_451 = arith.constant 0 : i32
    %dma_start3A_452 = tpu.memref_slice %arg6[%select_n3A, %add3A_444, %dma_start3A_451] : memref<16x2048x128xf32, #tpu.memory_space<hbm>> -> memref<1x128x128xf32, #tpu.memory_space<hbm>>
    %dma_start3A_453 = tpu.memref_squeeze %dma_start3A_452 : memref<1x128x128xf32, #tpu.memory_space<hbm>> -> memref<128x128xf32, #tpu.memory_space<hbm>>
    %dma_start3A_454 = tpu.memref_slice %arg14[%dma_start3A_446] : memref<6x!tpu.dma_semaphore, #tpu.memory_space<semaphore_mem>> -> memref<1x!tpu.dma_semaphore, #tpu.memory_space<semaphore_mem>>
    %dma_start3A_455 = tpu.memref_squeeze %dma_start3A_454 : memref<1x!tpu.dma_semaphore, #tpu.memory_space<semaphore_mem>> -> memref<!tpu.dma_semaphore, #tpu.memory_space<semaphore_mem>>
    %dma_start3A_456 = arith.constant 0 : i32
    %dma_start3A_457 = tpu.memref_slice %arg6[%select_n3A, %add3A_444, %dma_start3A_456] : memref<16x2048x128xf32, #tpu.memory_space<hbm>> -> memref<1x128x128xf32, #tpu.memory_space<hbm>>
    %dma_start3A_458 = tpu.memref_squeeze %dma_start3A_457 : memref<1x128x128xf32, #tpu.memory_space<hbm>> -> memref<128x128xf32, #tpu.memory_space<hbm>>
    %dma_start3A_459 = arith.constant 0 : i32
    %dma_start3A_460 = arith.constant 0 : i32
    %dma_start3A_461 = tpu.memref_slice %arg9[%dma_start3A_445, %dma_start3A_459, %dma_start3A_460] : memref<6x128x128xf32, #tpu.memory_space<vmem>> -> memref<1x128x128xf32, #tpu.memory_space<vmem>>
    %dma_start3A_462 = tpu.memref_squeeze %dma_start3A_461 : memref<1x128x128xf32, #tpu.memory_space<vmem>> -> memref<128x128xf32, #tpu.memory_space<vmem>>
    tpu.enqueue_dma source(%dma_start3A_462 : memref<128x128xf32, #tpu.memory_space<vmem>>) target(%dma_start3A_458 : memref<128x128xf32, #tpu.memory_space<hbm>>) target_semaphore(%dma_start3A_455 : memref<!tpu.dma_semaphore, #tpu.memory_space<semaphore_mem>>)
    %dma_wait3A_463 = arith.constant 0 : i32
    %dma_wait3A_464 = arith.constant 0 : i32
    %dma_wait3A_465 = arith.constant 0 : i32
    %dma_wait3A_466 = arith.constant 0 : i32
    %dma_wait3A_467 = tpu.memref_slice %arg9[%dma_wait3A_463, %dma_wait3A_465, %dma_wait3A_466] : memref<6x128x128xf32, #tpu.memory_space<vmem>> -> memref<1x128x128xf32, #tpu.memory_space<vmem>>
    %dma_wait3A_468 = tpu.memref_squeeze %dma_wait3A_467 : memref<1x128x128xf32, #tpu.memory_space<vmem>> -> memref<128x128xf32, #tpu.memory_space<vmem>>
    %dma_wait3A_469 = arith.constant 768 : i32
    %dma_wait3A_470 = tpu.memref_slice %arg7[%dma_wait3A_469] : memref<1024xi32, #tpu.memory_space<vmem>> -> memref<128xi32, #tpu.memory_space<vmem>>
    %dma_wait3A_471 = arith.constant 0 : i32
    %dma_wait3A_472 = arith.constant 0 : i32
    %dma_wait3A_473 = tpu.memref_slice %arg4[%dma_wait3A_471, %dma_wait3A_472] : memref<100000x128xf32, #tpu.memory_space<hbm>> -> memref<100000x128xf32, #tpu.memory_space<hbm>>
    %dma_wait3A_474 = tpu.memref_slice %arg13[%dma_wait3A_464] : memref<6x!tpu.dma_semaphore, #tpu.memory_space<semaphore_mem>> -> memref<1x!tpu.dma_semaphore, #tpu.memory_space<semaphore_mem>>
    %dma_wait3A_475 = tpu.memref_squeeze %dma_wait3A_474 : memref<1x!tpu.dma_semaphore, #tpu.memory_space<semaphore_mem>> -> memref<!tpu.dma_semaphore, #tpu.memory_space<semaphore_mem>>
    tpu.wait_indirect_dma semaphore(%dma_wait3A_475 : memref<!tpu.dma_semaphore, #tpu.memory_space<semaphore_mem>>) src(%dma_wait3A_473 : memref<100000x128xf32, #tpu.memory_space<hbm>>) dst(%dma_wait3A_468 : memref<128x128xf32, #tpu.memory_space<vmem>>)
    %dma_start3A_476 = arith.constant 0 : i32
    %dma_start3A_477 = arith.constant 0 : i32
    %dma_start3A_478 = arith.constant 0 : i32
    %dma_start3A_479 = arith.constant 0 : i32
    %dma_start3A_480 = tpu.memref_slice %arg9[%dma_start3A_476, %dma_start3A_478, %dma_start3A_479] : memref<6x128x128xf32, #tpu.memory_space<vmem>> -> memref<1x128x128xf32, #tpu.memory_space<vmem>>
    %dma_start3A_481 = tpu.memref_squeeze %dma_start3A_480 : memref<1x128x128xf32, #tpu.memory_space<vmem>> -> memref<128x128xf32, #tpu.memory_space<vmem>>
    %dma_start3A_482 = arith.constant 768 : i32
    %dma_start3A_483 = tpu.memref_slice %arg8[%dma_start3A_482] : memref<1024xi32, #tpu.memory_space<vmem>> -> memref<128xi32, #tpu.memory_space<vmem>>
    %dma_start3A_484 = arith.constant 0 : i32
    %dma_start3A_485 = arith.constant 0 : i32
    %dma_start3A_486 = tpu.memref_slice %arg10[%dma_start3A_484, %dma_start3A_485] : memref<2048x128xf32, #tpu.memory_space<vmem_shared>> -> memref<2048x128xf32, #tpu.memory_space<vmem_shared>>
    %dma_start3A_487 = tpu.memref_slice %arg12[%dma_start3A_477] : memref<6x!tpu.dma_semaphore, #tpu.memory_space<semaphore_mem>> -> memref<1x!tpu.dma_semaphore, #tpu.memory_space<semaphore_mem>>
    %dma_start3A_488 = tpu.memref_squeeze %dma_start3A_487 : memref<1x!tpu.dma_semaphore, #tpu.memory_space<semaphore_mem>> -> memref<!tpu.dma_semaphore, #tpu.memory_space<semaphore_mem>>
    tpu.enqueue_indirect_dma source(%dma_start3A_486 : memref<2048x128xf32, #tpu.memory_space<vmem_shared>>) target(%dma_start3A_481 : memref<128x128xf32, #tpu.memory_space<vmem>>) offsets(%dma_start3A_483 : memref<128xi32, #tpu.memory_space<vmem>>) semaphore(%dma_start3A_488 : memref<!tpu.dma_semaphore, #tpu.memory_space<semaphore_mem>>) {add = true}
    %dma_wait3A_489 = arith.constant 4 : i32
    %dma_wait3A_490 = arith.constant 4 : i32
    %dma_wait3A_491 = arith.constant 0 : i32
    %dma_wait3A_492 = arith.constant 0 : i32
    %dma_wait3A_493 = tpu.memref_slice %arg9[%dma_wait3A_489, %dma_wait3A_491, %dma_wait3A_492] : memref<6x128x128xf32, #tpu.memory_space<vmem>> -> memref<1x128x128xf32, #tpu.memory_space<vmem>>
    %dma_wait3A_494 = tpu.memref_squeeze %dma_wait3A_493 : memref<1x128x128xf32, #tpu.memory_space<vmem>> -> memref<128x128xf32, #tpu.memory_space<vmem>>
    %dma_wait3A_495 = arith.constant 512 : i32
    %dma_wait3A_496 = tpu.memref_slice %arg8[%dma_wait3A_495] : memref<1024xi32, #tpu.memory_space<vmem>> -> memref<128xi32, #tpu.memory_space<vmem>>
    %dma_wait3A_497 = arith.constant 0 : i32
    %dma_wait3A_498 = arith.constant 0 : i32
    %dma_wait3A_499 = tpu.memref_slice %arg10[%dma_wait3A_497, %dma_wait3A_498] : memref<2048x128xf32, #tpu.memory_space<vmem_shared>> -> memref<2048x128xf32, #tpu.memory_space<vmem_shared>>
    %dma_wait3A_500 = tpu.memref_slice %arg12[%dma_wait3A_490] : memref<6x!tpu.dma_semaphore, #tpu.memory_space<semaphore_mem>> -> memref<1x!tpu.dma_semaphore, #tpu.memory_space<semaphore_mem>>
    %dma_wait3A_501 = tpu.memref_squeeze %dma_wait3A_500 : memref<1x!tpu.dma_semaphore, #tpu.memory_space<semaphore_mem>> -> memref<!tpu.dma_semaphore, #tpu.memory_space<semaphore_mem>>
    tpu.wait_indirect_dma semaphore(%dma_wait3A_501 : memref<!tpu.dma_semaphore, #tpu.memory_space<semaphore_mem>>) src(%dma_wait3A_499 : memref<2048x128xf32, #tpu.memory_space<vmem_shared>>) dst(%dma_wait3A_494 : memref<128x128xf32, #tpu.memory_space<vmem>>)
    %add3A_502 = arith.constant 512 : i32
    %add3A_503 = arith.addi %multiple_of3A, %add3A_502 : i32
    %dma_start3A_504 = arith.constant 4 : i32
    %dma_start3A_505 = arith.constant 4 : i32
    %dma_start3A_506 = arith.constant 0 : i32
    %dma_start3A_507 = arith.constant 0 : i32
    %dma_start3A_508 = tpu.memref_slice %arg9[%dma_start3A_504, %dma_start3A_506, %dma_start3A_507] : memref<6x128x128xf32, #tpu.memory_space<vmem>> -> memref<1x128x128xf32, #tpu.memory_space<vmem>>
    %dma_start3A_509 = tpu.memref_squeeze %dma_start3A_508 : memref<1x128x128xf32, #tpu.memory_space<vmem>> -> memref<128x128xf32, #tpu.memory_space<vmem>>
    %dma_start3A_510 = arith.constant 0 : i32
    %dma_start3A_511 = tpu.memref_slice %arg6[%select_n3A, %add3A_503, %dma_start3A_510] : memref<16x2048x128xf32, #tpu.memory_space<hbm>> -> memref<1x128x128xf32, #tpu.memory_space<hbm>>
    %dma_start3A_512 = tpu.memref_squeeze %dma_start3A_511 : memref<1x128x128xf32, #tpu.memory_space<hbm>> -> memref<128x128xf32, #tpu.memory_space<hbm>>
    %dma_start3A_513 = tpu.memref_slice %arg14[%dma_start3A_505] : memref<6x!tpu.dma_semaphore, #tpu.memory_space<semaphore_mem>> -> memref<1x!tpu.dma_semaphore, #tpu.memory_space<semaphore_mem>>
    %dma_start3A_514 = tpu.memref_squeeze %dma_start3A_513 : memref<1x!tpu.dma_semaphore, #tpu.memory_space<semaphore_mem>> -> memref<!tpu.dma_semaphore, #tpu.memory_space<semaphore_mem>>
    %dma_start3A_515 = arith.constant 0 : i32
    %dma_start3A_516 = tpu.memref_slice %arg6[%select_n3A, %add3A_503, %dma_start3A_515] : memref<16x2048x128xf32, #tpu.memory_space<hbm>> -> memref<1x128x128xf32, #tpu.memory_space<hbm>>
    %dma_start3A_517 = tpu.memref_squeeze %dma_start3A_516 : memref<1x128x128xf32, #tpu.memory_space<hbm>> -> memref<128x128xf32, #tpu.memory_space<hbm>>
    %dma_start3A_518 = arith.constant 0 : i32
    %dma_start3A_519 = arith.constant 0 : i32
    %dma_start3A_520 = tpu.memref_slice %arg9[%dma_start3A_504, %dma_start3A_518, %dma_start3A_519] : memref<6x128x128xf32, #tpu.memory_space<vmem>> -> memref<1x128x128xf32, #tpu.memory_space<vmem>>
    %dma_start3A_521 = tpu.memref_squeeze %dma_start3A_520 : memref<1x128x128xf32, #tpu.memory_space<vmem>> -> memref<128x128xf32, #tpu.memory_space<vmem>>
    tpu.enqueue_dma source(%dma_start3A_521 : memref<128x128xf32, #tpu.memory_space<vmem>>) target(%dma_start3A_517 : memref<128x128xf32, #tpu.memory_space<hbm>>) target_semaphore(%dma_start3A_514 : memref<!tpu.dma_semaphore, #tpu.memory_space<semaphore_mem>>)
    %dma_wait3A_522 = arith.constant 1 : i32
    %dma_wait3A_523 = arith.constant 1 : i32
    %dma_wait3A_524 = arith.constant 0 : i32
    %dma_wait3A_525 = arith.constant 0 : i32
    %dma_wait3A_526 = tpu.memref_slice %arg9[%dma_wait3A_522, %dma_wait3A_524, %dma_wait3A_525] : memref<6x128x128xf32, #tpu.memory_space<vmem>> -> memref<1x128x128xf32, #tpu.memory_space<vmem>>
    %dma_wait3A_527 = tpu.memref_squeeze %dma_wait3A_526 : memref<1x128x128xf32, #tpu.memory_space<vmem>> -> memref<128x128xf32, #tpu.memory_space<vmem>>
    %dma_wait3A_528 = arith.constant 896 : i32
    %dma_wait3A_529 = tpu.memref_slice %arg7[%dma_wait3A_528] : memref<1024xi32, #tpu.memory_space<vmem>> -> memref<128xi32, #tpu.memory_space<vmem>>
    %dma_wait3A_530 = arith.constant 0 : i32
    %dma_wait3A_531 = arith.constant 0 : i32
    %dma_wait3A_532 = tpu.memref_slice %arg4[%dma_wait3A_530, %dma_wait3A_531] : memref<100000x128xf32, #tpu.memory_space<hbm>> -> memref<100000x128xf32, #tpu.memory_space<hbm>>
    %dma_wait3A_533 = tpu.memref_slice %arg13[%dma_wait3A_523] : memref<6x!tpu.dma_semaphore, #tpu.memory_space<semaphore_mem>> -> memref<1x!tpu.dma_semaphore, #tpu.memory_space<semaphore_mem>>
    %dma_wait3A_534 = tpu.memref_squeeze %dma_wait3A_533 : memref<1x!tpu.dma_semaphore, #tpu.memory_space<semaphore_mem>> -> memref<!tpu.dma_semaphore, #tpu.memory_space<semaphore_mem>>
    tpu.wait_indirect_dma semaphore(%dma_wait3A_534 : memref<!tpu.dma_semaphore, #tpu.memory_space<semaphore_mem>>) src(%dma_wait3A_532 : memref<100000x128xf32, #tpu.memory_space<hbm>>) dst(%dma_wait3A_527 : memref<128x128xf32, #tpu.memory_space<vmem>>)
    %dma_start3A_535 = arith.constant 1 : i32
    %dma_start3A_536 = arith.constant 1 : i32
    %dma_start3A_537 = arith.constant 0 : i32
    %dma_start3A_538 = arith.constant 0 : i32
    %dma_start3A_539 = tpu.memref_slice %arg9[%dma_start3A_535, %dma_start3A_537, %dma_start3A_538] : memref<6x128x128xf32, #tpu.memory_space<vmem>> -> memref<1x128x128xf32, #tpu.memory_space<vmem>>
    %dma_start3A_540 = tpu.memref_squeeze %dma_start3A_539 : memref<1x128x128xf32, #tpu.memory_space<vmem>> -> memref<128x128xf32, #tpu.memory_space<vmem>>
    %dma_start3A_541 = arith.constant 896 : i32
    %dma_start3A_542 = tpu.memref_slice %arg8[%dma_start3A_541] : memref<1024xi32, #tpu.memory_space<vmem>> -> memref<128xi32, #tpu.memory_space<vmem>>
    %dma_start3A_543 = arith.constant 0 : i32
    %dma_start3A_544 = arith.constant 0 : i32
    %dma_start3A_545 = tpu.memref_slice %arg10[%dma_start3A_543, %dma_start3A_544] : memref<2048x128xf32, #tpu.memory_space<vmem_shared>> -> memref<2048x128xf32, #tpu.memory_space<vmem_shared>>
    %dma_start3A_546 = tpu.memref_slice %arg12[%dma_start3A_536] : memref<6x!tpu.dma_semaphore, #tpu.memory_space<semaphore_mem>> -> memref<1x!tpu.dma_semaphore, #tpu.memory_space<semaphore_mem>>
    %dma_start3A_547 = tpu.memref_squeeze %dma_start3A_546 : memref<1x!tpu.dma_semaphore, #tpu.memory_space<semaphore_mem>> -> memref<!tpu.dma_semaphore, #tpu.memory_space<semaphore_mem>>
    tpu.enqueue_indirect_dma source(%dma_start3A_545 : memref<2048x128xf32, #tpu.memory_space<vmem_shared>>) target(%dma_start3A_540 : memref<128x128xf32, #tpu.memory_space<vmem>>) offsets(%dma_start3A_542 : memref<128xi32, #tpu.memory_space<vmem>>) semaphore(%dma_start3A_547 : memref<!tpu.dma_semaphore, #tpu.memory_space<semaphore_mem>>) {add = true}
    %dma_wait3A_548 = arith.constant 5 : i32
    %dma_wait3A_549 = arith.constant 5 : i32
    %dma_wait3A_550 = arith.constant 0 : i32
    %dma_wait3A_551 = arith.constant 0 : i32
    %dma_wait3A_552 = tpu.memref_slice %arg9[%dma_wait3A_548, %dma_wait3A_550, %dma_wait3A_551] : memref<6x128x128xf32, #tpu.memory_space<vmem>> -> memref<1x128x128xf32, #tpu.memory_space<vmem>>
    %dma_wait3A_553 = tpu.memref_squeeze %dma_wait3A_552 : memref<1x128x128xf32, #tpu.memory_space<vmem>> -> memref<128x128xf32, #tpu.memory_space<vmem>>
    %dma_wait3A_554 = arith.constant 640 : i32
    %dma_wait3A_555 = tpu.memref_slice %arg8[%dma_wait3A_554] : memref<1024xi32, #tpu.memory_space<vmem>> -> memref<128xi32, #tpu.memory_space<vmem>>
    %dma_wait3A_556 = arith.constant 0 : i32
    %dma_wait3A_557 = arith.constant 0 : i32
    %dma_wait3A_558 = tpu.memref_slice %arg10[%dma_wait3A_556, %dma_wait3A_557] : memref<2048x128xf32, #tpu.memory_space<vmem_shared>> -> memref<2048x128xf32, #tpu.memory_space<vmem_shared>>
    %dma_wait3A_559 = tpu.memref_slice %arg12[%dma_wait3A_549] : memref<6x!tpu.dma_semaphore, #tpu.memory_space<semaphore_mem>> -> memref<1x!tpu.dma_semaphore, #tpu.memory_space<semaphore_mem>>
    %dma_wait3A_560 = tpu.memref_squeeze %dma_wait3A_559 : memref<1x!tpu.dma_semaphore, #tpu.memory_space<semaphore_mem>> -> memref<!tpu.dma_semaphore, #tpu.memory_space<semaphore_mem>>
    tpu.wait_indirect_dma semaphore(%dma_wait3A_560 : memref<!tpu.dma_semaphore, #tpu.memory_space<semaphore_mem>>) src(%dma_wait3A_558 : memref<2048x128xf32, #tpu.memory_space<vmem_shared>>) dst(%dma_wait3A_553 : memref<128x128xf32, #tpu.memory_space<vmem>>)
    %add3A_561 = arith.constant 640 : i32
    %add3A_562 = arith.addi %multiple_of3A, %add3A_561 : i32
    %dma_start3A_563 = arith.constant 5 : i32
    %dma_start3A_564 = arith.constant 5 : i32
    %dma_start3A_565 = arith.constant 0 : i32
    %dma_start3A_566 = arith.constant 0 : i32
    %dma_start3A_567 = tpu.memref_slice %arg9[%dma_start3A_563, %dma_start3A_565, %dma_start3A_566] : memref<6x128x128xf32, #tpu.memory_space<vmem>> -> memref<1x128x128xf32, #tpu.memory_space<vmem>>
    %dma_start3A_568 = tpu.memref_squeeze %dma_start3A_567 : memref<1x128x128xf32, #tpu.memory_space<vmem>> -> memref<128x128xf32, #tpu.memory_space<vmem>>
    %dma_start3A_569 = arith.constant 0 : i32
    %dma_start3A_570 = tpu.memref_slice %arg6[%select_n3A, %add3A_562, %dma_start3A_569] : memref<16x2048x128xf32, #tpu.memory_space<hbm>> -> memref<1x128x128xf32, #tpu.memory_space<hbm>>
    %dma_start3A_571 = tpu.memref_squeeze %dma_start3A_570 : memref<1x128x128xf32, #tpu.memory_space<hbm>> -> memref<128x128xf32, #tpu.memory_space<hbm>>
    %dma_start3A_572 = tpu.memref_slice %arg14[%dma_start3A_564] : memref<6x!tpu.dma_semaphore, #tpu.memory_space<semaphore_mem>> -> memref<1x!tpu.dma_semaphore, #tpu.memory_space<semaphore_mem>>
    %dma_start3A_573 = tpu.memref_squeeze %dma_start3A_572 : memref<1x!tpu.dma_semaphore, #tpu.memory_space<semaphore_mem>> -> memref<!tpu.dma_semaphore, #tpu.memory_space<semaphore_mem>>
    %dma_start3A_574 = arith.constant 0 : i32
    %dma_start3A_575 = tpu.memref_slice %arg6[%select_n3A, %add3A_562, %dma_start3A_574] : memref<16x2048x128xf32, #tpu.memory_space<hbm>> -> memref<1x128x128xf32, #tpu.memory_space<hbm>>
    %dma_start3A_576 = tpu.memref_squeeze %dma_start3A_575 : memref<1x128x128xf32, #tpu.memory_space<hbm>> -> memref<128x128xf32, #tpu.memory_space<hbm>>
    %dma_start3A_577 = arith.constant 0 : i32
    %dma_start3A_578 = arith.constant 0 : i32
    %dma_start3A_579 = tpu.memref_slice %arg9[%dma_start3A_563, %dma_start3A_577, %dma_start3A_578] : memref<6x128x128xf32, #tpu.memory_space<vmem>> -> memref<1x128x128xf32, #tpu.memory_space<vmem>>
    %dma_start3A_580 = tpu.memref_squeeze %dma_start3A_579 : memref<1x128x128xf32, #tpu.memory_space<vmem>> -> memref<128x128xf32, #tpu.memory_space<vmem>>
    tpu.enqueue_dma source(%dma_start3A_580 : memref<128x128xf32, #tpu.memory_space<vmem>>) target(%dma_start3A_576 : memref<128x128xf32, #tpu.memory_space<hbm>>) target_semaphore(%dma_start3A_573 : memref<!tpu.dma_semaphore, #tpu.memory_space<semaphore_mem>>)
    %dma_wait3A_581 = arith.constant 0 : i32
    %dma_wait3A_582 = arith.constant 0 : i32
    %dma_wait3A_583 = arith.constant 0 : i32
    %dma_wait3A_584 = arith.constant 0 : i32
    %dma_wait3A_585 = tpu.memref_slice %arg9[%dma_wait3A_581, %dma_wait3A_583, %dma_wait3A_584] : memref<6x128x128xf32, #tpu.memory_space<vmem>> -> memref<1x128x128xf32, #tpu.memory_space<vmem>>
    %dma_wait3A_586 = tpu.memref_squeeze %dma_wait3A_585 : memref<1x128x128xf32, #tpu.memory_space<vmem>> -> memref<128x128xf32, #tpu.memory_space<vmem>>
    %dma_wait3A_587 = arith.constant 768 : i32
    %dma_wait3A_588 = tpu.memref_slice %arg8[%dma_wait3A_587] : memref<1024xi32, #tpu.memory_space<vmem>> -> memref<128xi32, #tpu.memory_space<vmem>>
    %dma_wait3A_589 = arith.constant 0 : i32
    %dma_wait3A_590 = arith.constant 0 : i32
    %dma_wait3A_591 = tpu.memref_slice %arg10[%dma_wait3A_589, %dma_wait3A_590] : memref<2048x128xf32, #tpu.memory_space<vmem_shared>> -> memref<2048x128xf32, #tpu.memory_space<vmem_shared>>
    %dma_wait3A_592 = tpu.memref_slice %arg12[%dma_wait3A_582] : memref<6x!tpu.dma_semaphore, #tpu.memory_space<semaphore_mem>> -> memref<1x!tpu.dma_semaphore, #tpu.memory_space<semaphore_mem>>
    %dma_wait3A_593 = tpu.memref_squeeze %dma_wait3A_592 : memref<1x!tpu.dma_semaphore, #tpu.memory_space<semaphore_mem>> -> memref<!tpu.dma_semaphore, #tpu.memory_space<semaphore_mem>>
    tpu.wait_indirect_dma semaphore(%dma_wait3A_593 : memref<!tpu.dma_semaphore, #tpu.memory_space<semaphore_mem>>) src(%dma_wait3A_591 : memref<2048x128xf32, #tpu.memory_space<vmem_shared>>) dst(%dma_wait3A_586 : memref<128x128xf32, #tpu.memory_space<vmem>>)
    %add3A_594 = arith.constant 768 : i32
    %add3A_595 = arith.addi %multiple_of3A, %add3A_594 : i32
    %dma_start3A_596 = arith.constant 0 : i32
    %dma_start3A_597 = arith.constant 0 : i32
    %dma_start3A_598 = arith.constant 0 : i32
    %dma_start3A_599 = arith.constant 0 : i32
    %dma_start3A_600 = tpu.memref_slice %arg9[%dma_start3A_596, %dma_start3A_598, %dma_start3A_599] : memref<6x128x128xf32, #tpu.memory_space<vmem>> -> memref<1x128x128xf32, #tpu.memory_space<vmem>>
    %dma_start3A_601 = tpu.memref_squeeze %dma_start3A_600 : memref<1x128x128xf32, #tpu.memory_space<vmem>> -> memref<128x128xf32, #tpu.memory_space<vmem>>
    %dma_start3A_602 = arith.constant 0 : i32
    %dma_start3A_603 = tpu.memref_slice %arg6[%select_n3A, %add3A_595, %dma_start3A_602] : memref<16x2048x128xf32, #tpu.memory_space<hbm>> -> memref<1x128x128xf32, #tpu.memory_space<hbm>>
    %dma_start3A_604 = tpu.memref_squeeze %dma_start3A_603 : memref<1x128x128xf32, #tpu.memory_space<hbm>> -> memref<128x128xf32, #tpu.memory_space<hbm>>
    %dma_start3A_605 = tpu.memref_slice %arg14[%dma_start3A_597] : memref<6x!tpu.dma_semaphore, #tpu.memory_space<semaphore_mem>> -> memref<1x!tpu.dma_semaphore, #tpu.memory_space<semaphore_mem>>
    %dma_start3A_606 = tpu.memref_squeeze %dma_start3A_605 : memref<1x!tpu.dma_semaphore, #tpu.memory_space<semaphore_mem>> -> memref<!tpu.dma_semaphore, #tpu.memory_space<semaphore_mem>>
    %dma_start3A_607 = arith.constant 0 : i32
    %dma_start3A_608 = tpu.memref_slice %arg6[%select_n3A, %add3A_595, %dma_start3A_607] : memref<16x2048x128xf32, #tpu.memory_space<hbm>> -> memref<1x128x128xf32, #tpu.memory_space<hbm>>
    %dma_start3A_609 = tpu.memref_squeeze %dma_start3A_608 : memref<1x128x128xf32, #tpu.memory_space<hbm>> -> memref<128x128xf32, #tpu.memory_space<hbm>>
    %dma_start3A_610 = arith.constant 0 : i32
    %dma_start3A_611 = arith.constant 0 : i32
    %dma_start3A_612 = tpu.memref_slice %arg9[%dma_start3A_596, %dma_start3A_610, %dma_start3A_611] : memref<6x128x128xf32, #tpu.memory_space<vmem>> -> memref<1x128x128xf32, #tpu.memory_space<vmem>>
    %dma_start3A_613 = tpu.memref_squeeze %dma_start3A_612 : memref<1x128x128xf32, #tpu.memory_space<vmem>> -> memref<128x128xf32, #tpu.memory_space<vmem>>
    tpu.enqueue_dma source(%dma_start3A_613 : memref<128x128xf32, #tpu.memory_space<vmem>>) target(%dma_start3A_609 : memref<128x128xf32, #tpu.memory_space<hbm>>) target_semaphore(%dma_start3A_606 : memref<!tpu.dma_semaphore, #tpu.memory_space<semaphore_mem>>)
    %dma_wait3A_614 = arith.constant 1 : i32
    %dma_wait3A_615 = arith.constant 1 : i32
    %dma_wait3A_616 = arith.constant 0 : i32
    %dma_wait3A_617 = arith.constant 0 : i32
    %dma_wait3A_618 = tpu.memref_slice %arg9[%dma_wait3A_614, %dma_wait3A_616, %dma_wait3A_617] : memref<6x128x128xf32, #tpu.memory_space<vmem>> -> memref<1x128x128xf32, #tpu.memory_space<vmem>>
    %dma_wait3A_619 = tpu.memref_squeeze %dma_wait3A_618 : memref<1x128x128xf32, #tpu.memory_space<vmem>> -> memref<128x128xf32, #tpu.memory_space<vmem>>
    %dma_wait3A_620 = arith.constant 896 : i32
    %dma_wait3A_621 = tpu.memref_slice %arg8[%dma_wait3A_620] : memref<1024xi32, #tpu.memory_space<vmem>> -> memref<128xi32, #tpu.memory_space<vmem>>
    %dma_wait3A_622 = arith.constant 0 : i32
    %dma_wait3A_623 = arith.constant 0 : i32
    %dma_wait3A_624 = tpu.memref_slice %arg10[%dma_wait3A_622, %dma_wait3A_623] : memref<2048x128xf32, #tpu.memory_space<vmem_shared>> -> memref<2048x128xf32, #tpu.memory_space<vmem_shared>>
    %dma_wait3A_625 = tpu.memref_slice %arg12[%dma_wait3A_615] : memref<6x!tpu.dma_semaphore, #tpu.memory_space<semaphore_mem>> -> memref<1x!tpu.dma_semaphore, #tpu.memory_space<semaphore_mem>>
    %dma_wait3A_626 = tpu.memref_squeeze %dma_wait3A_625 : memref<1x!tpu.dma_semaphore, #tpu.memory_space<semaphore_mem>> -> memref<!tpu.dma_semaphore, #tpu.memory_space<semaphore_mem>>
    tpu.wait_indirect_dma semaphore(%dma_wait3A_626 : memref<!tpu.dma_semaphore, #tpu.memory_space<semaphore_mem>>) src(%dma_wait3A_624 : memref<2048x128xf32, #tpu.memory_space<vmem_shared>>) dst(%dma_wait3A_619 : memref<128x128xf32, #tpu.memory_space<vmem>>)
    %add3A_627 = arith.constant 896 : i32
    %add3A_628 = arith.addi %multiple_of3A, %add3A_627 : i32
    %dma_start3A_629 = arith.constant 1 : i32
    %dma_start3A_630 = arith.constant 1 : i32
    %dma_start3A_631 = arith.constant 0 : i32
    %dma_start3A_632 = arith.constant 0 : i32
    %dma_start3A_633 = tpu.memref_slice %arg9[%dma_start3A_629, %dma_start3A_631, %dma_start3A_632] : memref<6x128x128xf32, #tpu.memory_space<vmem>> -> memref<1x128x128xf32, #tpu.memory_space<vmem>>
    %dma_start3A_634 = tpu.memref_squeeze %dma_start3A_633 : memref<1x128x128xf32, #tpu.memory_space<vmem>> -> memref<128x128xf32, #tpu.memory_space<vmem>>
    %dma_start3A_635 = arith.constant 0 : i32
    %dma_start3A_636 = tpu.memref_slice %arg6[%select_n3A, %add3A_628, %dma_start3A_635] : memref<16x2048x128xf32, #tpu.memory_space<hbm>> -> memref<1x128x128xf32, #tpu.memory_space<hbm>>
    %dma_start3A_637 = tpu.memref_squeeze %dma_start3A_636 : memref<1x128x128xf32, #tpu.memory_space<hbm>> -> memref<128x128xf32, #tpu.memory_space<hbm>>
    %dma_start3A_638 = tpu.memref_slice %arg14[%dma_start3A_630] : memref<6x!tpu.dma_semaphore, #tpu.memory_space<semaphore_mem>> -> memref<1x!tpu.dma_semaphore, #tpu.memory_space<semaphore_mem>>
    %dma_start3A_639 = tpu.memref_squeeze %dma_start3A_638 : memref<1x!tpu.dma_semaphore, #tpu.memory_space<semaphore_mem>> -> memref<!tpu.dma_semaphore, #tpu.memory_space<semaphore_mem>>
    %dma_start3A_640 = arith.constant 0 : i32
    %dma_start3A_641 = tpu.memref_slice %arg6[%select_n3A, %add3A_628, %dma_start3A_640] : memref<16x2048x128xf32, #tpu.memory_space<hbm>> -> memref<1x128x128xf32, #tpu.memory_space<hbm>>
    %dma_start3A_642 = tpu.memref_squeeze %dma_start3A_641 : memref<1x128x128xf32, #tpu.memory_space<hbm>> -> memref<128x128xf32, #tpu.memory_space<hbm>>
    %dma_start3A_643 = arith.constant 0 : i32
    %dma_start3A_644 = arith.constant 0 : i32
    %dma_start3A_645 = tpu.memref_slice %arg9[%dma_start3A_629, %dma_start3A_643, %dma_start3A_644] : memref<6x128x128xf32, #tpu.memory_space<vmem>> -> memref<1x128x128xf32, #tpu.memory_space<vmem>>
    %dma_start3A_646 = tpu.memref_squeeze %dma_start3A_645 : memref<1x128x128xf32, #tpu.memory_space<vmem>> -> memref<128x128xf32, #tpu.memory_space<vmem>>
    tpu.enqueue_dma source(%dma_start3A_646 : memref<128x128xf32, #tpu.memory_space<vmem>>) target(%dma_start3A_642 : memref<128x128xf32, #tpu.memory_space<hbm>>) target_semaphore(%dma_start3A_639 : memref<!tpu.dma_semaphore, #tpu.memory_space<semaphore_mem>>)
    %dma_wait3A_647 = arith.constant 2 : i32
    %dma_wait3A_648 = arith.constant 2 : i32
    %dma_wait3A_649 = arith.constant 0 : i32
    %dma_wait3A_650 = arith.constant 0 : i32
    %dma_wait3A_651 = tpu.memref_slice %arg9[%dma_wait3A_647, %dma_wait3A_649, %dma_wait3A_650] : memref<6x128x128xf32, #tpu.memory_space<vmem>> -> memref<1x128x128xf32, #tpu.memory_space<vmem>>
    %dma_wait3A_652 = tpu.memref_squeeze %dma_wait3A_651 : memref<1x128x128xf32, #tpu.memory_space<vmem>> -> memref<128x128xf32, #tpu.memory_space<vmem>>
    %dma_wait3A_653 = arith.constant 0 : i32
    %dma_wait3A_654 = tpu.memref_slice %arg6[%select_n3A, %add3A_354, %dma_wait3A_653] : memref<16x2048x128xf32, #tpu.memory_space<hbm>> -> memref<1x128x128xf32, #tpu.memory_space<hbm>>
    %dma_wait3A_655 = tpu.memref_squeeze %dma_wait3A_654 : memref<1x128x128xf32, #tpu.memory_space<hbm>> -> memref<128x128xf32, #tpu.memory_space<hbm>>
    %dma_wait3A_656 = tpu.memref_slice %arg14[%dma_wait3A_648] : memref<6x!tpu.dma_semaphore, #tpu.memory_space<semaphore_mem>> -> memref<1x!tpu.dma_semaphore, #tpu.memory_space<semaphore_mem>>
    %dma_wait3A_657 = tpu.memref_squeeze %dma_wait3A_656 : memref<1x!tpu.dma_semaphore, #tpu.memory_space<semaphore_mem>> -> memref<!tpu.dma_semaphore, #tpu.memory_space<semaphore_mem>>
    %dma_wait3A_658 = arith.constant 0 : i32
    %dma_wait3A_659 = tpu.memref_slice %arg6[%select_n3A, %add3A_354, %dma_wait3A_658] : memref<16x2048x128xf32, #tpu.memory_space<hbm>> -> memref<1x128x128xf32, #tpu.memory_space<hbm>>
    %dma_wait3A_660 = tpu.memref_squeeze %dma_wait3A_659 : memref<1x128x128xf32, #tpu.memory_space<hbm>> -> memref<128x128xf32, #tpu.memory_space<hbm>>
    %dma_wait3A_661 = arith.constant 0 : i32
    %dma_wait3A_662 = arith.constant 0 : i32
    %dma_wait3A_663 = tpu.memref_slice %arg9[%dma_wait3A_647, %dma_wait3A_661, %dma_wait3A_662] : memref<6x128x128xf32, #tpu.memory_space<vmem>> -> memref<1x128x128xf32, #tpu.memory_space<vmem>>
    %dma_wait3A_664 = tpu.memref_squeeze %dma_wait3A_663 : memref<1x128x128xf32, #tpu.memory_space<vmem>> -> memref<128x128xf32, #tpu.memory_space<vmem>>
    tpu.wait_dma2 semaphore(%dma_wait3A_657 : memref<!tpu.dma_semaphore, #tpu.memory_space<semaphore_mem>>) src(%dma_wait3A_664 : memref<128x128xf32, #tpu.memory_space<vmem>>) dst(%dma_wait3A_660 : memref<128x128xf32, #tpu.memory_space<hbm>>)
    %dma_wait3A_665 = arith.constant 3 : i32
    %dma_wait3A_666 = arith.constant 3 : i32
    %dma_wait3A_667 = arith.constant 0 : i32
    %dma_wait3A_668 = arith.constant 0 : i32
    %dma_wait3A_669 = tpu.memref_slice %arg9[%dma_wait3A_665, %dma_wait3A_667, %dma_wait3A_668] : memref<6x128x128xf32, #tpu.memory_space<vmem>> -> memref<1x128x128xf32, #tpu.memory_space<vmem>>
    %dma_wait3A_670 = tpu.memref_squeeze %dma_wait3A_669 : memref<1x128x128xf32, #tpu.memory_space<vmem>> -> memref<128x128xf32, #tpu.memory_space<vmem>>
    %dma_wait3A_671 = arith.constant 0 : i32
    %dma_wait3A_672 = tpu.memref_slice %arg6[%select_n3A, %add3A_444, %dma_wait3A_671] : memref<16x2048x128xf32, #tpu.memory_space<hbm>> -> memref<1x128x128xf32, #tpu.memory_space<hbm>>
    %dma_wait3A_673 = tpu.memref_squeeze %dma_wait3A_672 : memref<1x128x128xf32, #tpu.memory_space<hbm>> -> memref<128x128xf32, #tpu.memory_space<hbm>>
    %dma_wait3A_674 = tpu.memref_slice %arg14[%dma_wait3A_666] : memref<6x!tpu.dma_semaphore, #tpu.memory_space<semaphore_mem>> -> memref<1x!tpu.dma_semaphore, #tpu.memory_space<semaphore_mem>>
    %dma_wait3A_675 = tpu.memref_squeeze %dma_wait3A_674 : memref<1x!tpu.dma_semaphore, #tpu.memory_space<semaphore_mem>> -> memref<!tpu.dma_semaphore, #tpu.memory_space<semaphore_mem>>
    %dma_wait3A_676 = arith.constant 0 : i32
    %dma_wait3A_677 = tpu.memref_slice %arg6[%select_n3A, %add3A_444, %dma_wait3A_676] : memref<16x2048x128xf32, #tpu.memory_space<hbm>> -> memref<1x128x128xf32, #tpu.memory_space<hbm>>
    %dma_wait3A_678 = tpu.memref_squeeze %dma_wait3A_677 : memref<1x128x128xf32, #tpu.memory_space<hbm>> -> memref<128x128xf32, #tpu.memory_space<hbm>>
    %dma_wait3A_679 = arith.constant 0 : i32
    %dma_wait3A_680 = arith.constant 0 : i32
    %dma_wait3A_681 = tpu.memref_slice %arg9[%dma_wait3A_665, %dma_wait3A_679, %dma_wait3A_680] : memref<6x128x128xf32, #tpu.memory_space<vmem>> -> memref<1x128x128xf32, #tpu.memory_space<vmem>>
    %dma_wait3A_682 = tpu.memref_squeeze %dma_wait3A_681 : memref<1x128x128xf32, #tpu.memory_space<vmem>> -> memref<128x128xf32, #tpu.memory_space<vmem>>
    tpu.wait_dma2 semaphore(%dma_wait3A_675 : memref<!tpu.dma_semaphore, #tpu.memory_space<semaphore_mem>>) src(%dma_wait3A_682 : memref<128x128xf32, #tpu.memory_space<vmem>>) dst(%dma_wait3A_678 : memref<128x128xf32, #tpu.memory_space<hbm>>)
    %dma_wait3A_683 = arith.constant 4 : i32
    %dma_wait3A_684 = arith.constant 4 : i32
    %dma_wait3A_685 = arith.constant 0 : i32
    %dma_wait3A_686 = arith.constant 0 : i32
    %dma_wait3A_687 = tpu.memref_slice %arg9[%dma_wait3A_683, %dma_wait3A_685, %dma_wait3A_686] : memref<6x128x128xf32, #tpu.memory_space<vmem>> -> memref<1x128x128xf32, #tpu.memory_space<vmem>>
    %dma_wait3A_688 = tpu.memref_squeeze %dma_wait3A_687 : memref<1x128x128xf32, #tpu.memory_space<vmem>> -> memref<128x128xf32, #tpu.memory_space<vmem>>
    %dma_wait3A_689 = arith.constant 0 : i32
    %dma_wait3A_690 = tpu.memref_slice %arg6[%select_n3A, %add3A_503, %dma_wait3A_689] : memref<16x2048x128xf32, #tpu.memory_space<hbm>> -> memref<1x128x128xf32, #tpu.memory_space<hbm>>
    %dma_wait3A_691 = tpu.memref_squeeze %dma_wait3A_690 : memref<1x128x128xf32, #tpu.memory_space<hbm>> -> memref<128x128xf32, #tpu.memory_space<hbm>>
    %dma_wait3A_692 = tpu.memref_slice %arg14[%dma_wait3A_684] : memref<6x!tpu.dma_semaphore, #tpu.memory_space<semaphore_mem>> -> memref<1x!tpu.dma_semaphore, #tpu.memory_space<semaphore_mem>>
    %dma_wait3A_693 = tpu.memref_squeeze %dma_wait3A_692 : memref<1x!tpu.dma_semaphore, #tpu.memory_space<semaphore_mem>> -> memref<!tpu.dma_semaphore, #tpu.memory_space<semaphore_mem>>
    %dma_wait3A_694 = arith.constant 0 : i32
    %dma_wait3A_695 = tpu.memref_slice %arg6[%select_n3A, %add3A_503, %dma_wait3A_694] : memref<16x2048x128xf32, #tpu.memory_space<hbm>> -> memref<1x128x128xf32, #tpu.memory_space<hbm>>
    %dma_wait3A_696 = tpu.memref_squeeze %dma_wait3A_695 : memref<1x128x128xf32, #tpu.memory_space<hbm>> -> memref<128x128xf32, #tpu.memory_space<hbm>>
    %dma_wait3A_697 = arith.constant 0 : i32
    %dma_wait3A_698 = arith.constant 0 : i32
    %dma_wait3A_699 = tpu.memref_slice %arg9[%dma_wait3A_683, %dma_wait3A_697, %dma_wait3A_698] : memref<6x128x128xf32, #tpu.memory_space<vmem>> -> memref<1x128x128xf32, #tpu.memory_space<vmem>>
    %dma_wait3A_700 = tpu.memref_squeeze %dma_wait3A_699 : memref<1x128x128xf32, #tpu.memory_space<vmem>> -> memref<128x128xf32, #tpu.memory_space<vmem>>
    tpu.wait_dma2 semaphore(%dma_wait3A_693 : memref<!tpu.dma_semaphore, #tpu.memory_space<semaphore_mem>>) src(%dma_wait3A_700 : memref<128x128xf32, #tpu.memory_space<vmem>>) dst(%dma_wait3A_696 : memref<128x128xf32, #tpu.memory_space<hbm>>)
    %dma_wait3A_701 = arith.constant 5 : i32
    %dma_wait3A_702 = arith.constant 5 : i32
    %dma_wait3A_703 = arith.constant 0 : i32
    %dma_wait3A_704 = arith.constant 0 : i32
    %dma_wait3A_705 = tpu.memref_slice %arg9[%dma_wait3A_701, %dma_wait3A_703, %dma_wait3A_704] : memref<6x128x128xf32, #tpu.memory_space<vmem>> -> memref<1x128x128xf32, #tpu.memory_space<vmem>>
    %dma_wait3A_706 = tpu.memref_squeeze %dma_wait3A_705 : memref<1x128x128xf32, #tpu.memory_space<vmem>> -> memref<128x128xf32, #tpu.memory_space<vmem>>
    %dma_wait3A_707 = arith.constant 0 : i32
    %dma_wait3A_708 = tpu.memref_slice %arg6[%select_n3A, %add3A_562, %dma_wait3A_707] : memref<16x2048x128xf32, #tpu.memory_space<hbm>> -> memref<1x128x128xf32, #tpu.memory_space<hbm>>
    %dma_wait3A_709 = tpu.memref_squeeze %dma_wait3A_708 : memref<1x128x128xf32, #tpu.memory_space<hbm>> -> memref<128x128xf32, #tpu.memory_space<hbm>>
    %dma_wait3A_710 = tpu.memref_slice %arg14[%dma_wait3A_702] : memref<6x!tpu.dma_semaphore, #tpu.memory_space<semaphore_mem>> -> memref<1x!tpu.dma_semaphore, #tpu.memory_space<semaphore_mem>>
    %dma_wait3A_711 = tpu.memref_squeeze %dma_wait3A_710 : memref<1x!tpu.dma_semaphore, #tpu.memory_space<semaphore_mem>> -> memref<!tpu.dma_semaphore, #tpu.memory_space<semaphore_mem>>
    %dma_wait3A_712 = arith.constant 0 : i32
    %dma_wait3A_713 = tpu.memref_slice %arg6[%select_n3A, %add3A_562, %dma_wait3A_712] : memref<16x2048x128xf32, #tpu.memory_space<hbm>> -> memref<1x128x128xf32, #tpu.memory_space<hbm>>
    %dma_wait3A_714 = tpu.memref_squeeze %dma_wait3A_713 : memref<1x128x128xf32, #tpu.memory_space<hbm>> -> memref<128x128xf32, #tpu.memory_space<hbm>>
    %dma_wait3A_715 = arith.constant 0 : i32
    %dma_wait3A_716 = arith.constant 0 : i32
    %dma_wait3A_717 = tpu.memref_slice %arg9[%dma_wait3A_701, %dma_wait3A_715, %dma_wait3A_716] : memref<6x128x128xf32, #tpu.memory_space<vmem>> -> memref<1x128x128xf32, #tpu.memory_space<vmem>>
    %dma_wait3A_718 = tpu.memref_squeeze %dma_wait3A_717 : memref<1x128x128xf32, #tpu.memory_space<vmem>> -> memref<128x128xf32, #tpu.memory_space<vmem>>
    tpu.wait_dma2 semaphore(%dma_wait3A_711 : memref<!tpu.dma_semaphore, #tpu.memory_space<semaphore_mem>>) src(%dma_wait3A_718 : memref<128x128xf32, #tpu.memory_space<vmem>>) dst(%dma_wait3A_714 : memref<128x128xf32, #tpu.memory_space<hbm>>)
    %dma_wait3A_719 = arith.constant 0 : i32
    %dma_wait3A_720 = arith.constant 0 : i32
    %dma_wait3A_721 = arith.constant 0 : i32
    %dma_wait3A_722 = arith.constant 0 : i32
    %dma_wait3A_723 = tpu.memref_slice %arg9[%dma_wait3A_719, %dma_wait3A_721, %dma_wait3A_722] : memref<6x128x128xf32, #tpu.memory_space<vmem>> -> memref<1x128x128xf32, #tpu.memory_space<vmem>>
    %dma_wait3A_724 = tpu.memref_squeeze %dma_wait3A_723 : memref<1x128x128xf32, #tpu.memory_space<vmem>> -> memref<128x128xf32, #tpu.memory_space<vmem>>
    %dma_wait3A_725 = arith.constant 0 : i32
    %dma_wait3A_726 = tpu.memref_slice %arg6[%select_n3A, %add3A_595, %dma_wait3A_725] : memref<16x2048x128xf32, #tpu.memory_space<hbm>> -> memref<1x128x128xf32, #tpu.memory_space<hbm>>
    %dma_wait3A_727 = tpu.memref_squeeze %dma_wait3A_726 : memref<1x128x128xf32, #tpu.memory_space<hbm>> -> memref<128x128xf32, #tpu.memory_space<hbm>>
    %dma_wait3A_728 = tpu.memref_slice %arg14[%dma_wait3A_720] : memref<6x!tpu.dma_semaphore, #tpu.memory_space<semaphore_mem>> -> memref<1x!tpu.dma_semaphore, #tpu.memory_space<semaphore_mem>>
    %dma_wait3A_729 = tpu.memref_squeeze %dma_wait3A_728 : memref<1x!tpu.dma_semaphore, #tpu.memory_space<semaphore_mem>> -> memref<!tpu.dma_semaphore, #tpu.memory_space<semaphore_mem>>
    %dma_wait3A_730 = arith.constant 0 : i32
    %dma_wait3A_731 = tpu.memref_slice %arg6[%select_n3A, %add3A_595, %dma_wait3A_730] : memref<16x2048x128xf32, #tpu.memory_space<hbm>> -> memref<1x128x128xf32, #tpu.memory_space<hbm>>
    %dma_wait3A_732 = tpu.memref_squeeze %dma_wait3A_731 : memref<1x128x128xf32, #tpu.memory_space<hbm>> -> memref<128x128xf32, #tpu.memory_space<hbm>>
    %dma_wait3A_733 = arith.constant 0 : i32
    %dma_wait3A_734 = arith.constant 0 : i32
    %dma_wait3A_735 = tpu.memref_slice %arg9[%dma_wait3A_719, %dma_wait3A_733, %dma_wait3A_734] : memref<6x128x128xf32, #tpu.memory_space<vmem>> -> memref<1x128x128xf32, #tpu.memory_space<vmem>>
    %dma_wait3A_736 = tpu.memref_squeeze %dma_wait3A_735 : memref<1x128x128xf32, #tpu.memory_space<vmem>> -> memref<128x128xf32, #tpu.memory_space<vmem>>
    tpu.wait_dma2 semaphore(%dma_wait3A_729 : memref<!tpu.dma_semaphore, #tpu.memory_space<semaphore_mem>>) src(%dma_wait3A_736 : memref<128x128xf32, #tpu.memory_space<vmem>>) dst(%dma_wait3A_732 : memref<128x128xf32, #tpu.memory_space<hbm>>)
    %dma_wait3A_737 = arith.constant 1 : i32
    %dma_wait3A_738 = arith.constant 1 : i32
    %dma_wait3A_739 = arith.constant 0 : i32
    %dma_wait3A_740 = arith.constant 0 : i32
    %dma_wait3A_741 = tpu.memref_slice %arg9[%dma_wait3A_737, %dma_wait3A_739, %dma_wait3A_740] : memref<6x128x128xf32, #tpu.memory_space<vmem>> -> memref<1x128x128xf32, #tpu.memory_space<vmem>>
    %dma_wait3A_742 = tpu.memref_squeeze %dma_wait3A_741 : memref<1x128x128xf32, #tpu.memory_space<vmem>> -> memref<128x128xf32, #tpu.memory_space<vmem>>
    %dma_wait3A_743 = arith.constant 0 : i32
    %dma_wait3A_744 = tpu.memref_slice %arg6[%select_n3A, %add3A_628, %dma_wait3A_743] : memref<16x2048x128xf32, #tpu.memory_space<hbm>> -> memref<1x128x128xf32, #tpu.memory_space<hbm>>
    %dma_wait3A_745 = tpu.memref_squeeze %dma_wait3A_744 : memref<1x128x128xf32, #tpu.memory_space<hbm>> -> memref<128x128xf32, #tpu.memory_space<hbm>>
    %dma_wait3A_746 = tpu.memref_slice %arg14[%dma_wait3A_738] : memref<6x!tpu.dma_semaphore, #tpu.memory_space<semaphore_mem>> -> memref<1x!tpu.dma_semaphore, #tpu.memory_space<semaphore_mem>>
    %dma_wait3A_747 = tpu.memref_squeeze %dma_wait3A_746 : memref<1x!tpu.dma_semaphore, #tpu.memory_space<semaphore_mem>> -> memref<!tpu.dma_semaphore, #tpu.memory_space<semaphore_mem>>
    %dma_wait3A_748 = arith.constant 0 : i32
    %dma_wait3A_749 = tpu.memref_slice %arg6[%select_n3A, %add3A_628, %dma_wait3A_748] : memref<16x2048x128xf32, #tpu.memory_space<hbm>> -> memref<1x128x128xf32, #tpu.memory_space<hbm>>
    %dma_wait3A_750 = tpu.memref_squeeze %dma_wait3A_749 : memref<1x128x128xf32, #tpu.memory_space<hbm>> -> memref<128x128xf32, #tpu.memory_space<hbm>>
    %dma_wait3A_751 = arith.constant 0 : i32
    %dma_wait3A_752 = arith.constant 0 : i32
    %dma_wait3A_753 = tpu.memref_slice %arg9[%dma_wait3A_737, %dma_wait3A_751, %dma_wait3A_752] : memref<6x128x128xf32, #tpu.memory_space<vmem>> -> memref<1x128x128xf32, #tpu.memory_space<vmem>>
    %dma_wait3A_754 = tpu.memref_squeeze %dma_wait3A_753 : memref<1x128x128xf32, #tpu.memory_space<vmem>> -> memref<128x128xf32, #tpu.memory_space<vmem>>
    tpu.wait_dma2 semaphore(%dma_wait3A_747 : memref<!tpu.dma_semaphore, #tpu.memory_space<semaphore_mem>>) src(%dma_wait3A_754 : memref<128x128xf32, #tpu.memory_space<vmem>>) dst(%dma_wait3A_750 : memref<128x128xf32, #tpu.memory_space<hbm>>)
    return
  }
}

module attributes {stable_mosaic.version = 14 : i64} {
  func.func @_comb_body(%arg0: memref<2048x128xf32, #tpu.memory_space<vmem>>, %arg1: memref<2x128xf32, #tpu.memory_space<vmem>>, %arg2: memref<2x2048x128xf32, #tpu.memory_space<vmem>>) attributes {dimension_semantics = [], scalar_prefetch = 0 : i64, scratch_operands = 0 : i64, tpu.core_type = #tpu.core_type<tc>} {
    %get3A = arith.constant 0 : index
    %get3A_0 = arith.constant 0 : index
    %get3A_1 = vector.load %arg0[%get3A, %get3A_0] : memref<2048x128xf32, #tpu.memory_space<vmem>>, vector<2048x128xf32>
    %broadcast_in_dim3A = vector.shape_cast %get3A_1 : vector<2048x128xf32> to vector<1x2048x128xf32>
    %get3A_2 = arith.constant 0 : index
    %get3A_3 = arith.constant 0 : index
    %get3A_4 = vector.load %arg1[%get3A_2, %get3A_3] : memref<2x128xf32, #tpu.memory_space<vmem>>, vector<2x128xf32>
    %broadcast_in_dim3A_5 = vector.shape_cast %get3A_4 : vector<2x128xf32> to vector<2x1x128xf32>
    %add3A = vector.broadcast %broadcast_in_dim3A : vector<1x2048x128xf32> to vector<2x2048x128xf32>
    %add3A_6 = vector.broadcast %broadcast_in_dim3A_5 : vector<2x1x128xf32> to vector<2x2048x128xf32>
    %add3A_7 = arith.addf %add3A, %add3A_6 : vector<2x2048x128xf32>
    %swap3A = arith.constant 0 : index
    %swap3A_8 = arith.constant 0 : index
    %swap3A_9 = arith.constant 0 : index
    %swap3A_10 = vector.load %arg2[%swap3A, %swap3A_8, %swap3A_9] : memref<2x2048x128xf32, #tpu.memory_space<vmem>>, vector<2x2048x128xf32>
    tpu.vector_store %arg2[%swap3A, %swap3A_8, %swap3A_9], %add3A_7 {strides = array<i32>} : memref<2x2048x128xf32, #tpu.memory_space<vmem>>, vector<2x2048x128xf32>,
    return
  }
}

</mosaic_0001>

<sc_bundles>
// kernel: kernel.4.cloned.1.call-start
scs
__scs_entry_jumppad:
0x0: {  	(pc) =	sbr.rel $0x88, $3  }
0x1: {  	(tag) =	ssettag $0x0;
	lr =	simm.s32 $0x1  }
0x2: {  	[smem:$0x3F9C] =	sst lr;
	_ =	strace $0xD0000000  }
0x3: {  	_ = 	snop  }
0x4: {  	_ = 	snop  }
0x5: {  	_ = 	snop  }
0x6: {  	_ = 	snop  }
0x7: {  	_ = 	snop  }
__scs_overlays_trampoline_lowered:
0x8: {  	[smem:$0x3FAB] =	sst s0  }
0x9: {  	[smem:$0x3FAC] =	sst s1  }
0xa: {  	[smem:$0x3FAD] =	sst s2  }
0xb: {  	[smem:$0x3FAE] =	sst s3  }
0xc: {  	[smem:$0x3FAF] =	sst s4  }
0xd: {  	[smem:$0x3FB0] =	sst s5  }
0xe: {  	[smem:$0x3FB1] =	sst s6  }
0xf: {  	[smem:$0x3FB2] =	sst s7  }
0x10: {  	[smem:$0x3FB3] =	sst s8  }
0x11: {  	[smem:$0x3FB4] =	sst s9;
	s0 =	simm.s32 @!p0 $0x0  }
0x12: {  	s1 =	sld [smem:$0x3F9A];
	s0 =	simm.s32 @p0 $0x1  }
0x13: {  	[smem:$0x3FB5] =	sst s0;
	s0 =	simm.s32 @!p1 $0x0  }
0x14: {  	s2 =	sld [smem:$0x3F99];
	s0 =	simm.s32 @p1 $0x1  }
0x15: {  	[smem:$0x3FB6] =	sst s0;
	s0 =	simm.s32 @!p2 $0x0  }
0x16: {  	s3 =	sld [smem:$0x3FDB];
	s0 =	simm.s32 @p2 $0x1  }
0x17: {  	s4 =	simm.s32 $0x1BF5;
	[smem:$0x3FB8] =	sst s0  }
0x18: {  	s0 =	sld [smem:$0x3F9B];
	_ =	swait.ge [sflag:s4], $0x0  }
0x19: {  	s7 =	sld [smem:$0x3F9C]  }
0x1a: {  	s8 =	sadd.s32 $0xFFFFE003, lr  }
0x1b: {  	s9 =	sadd.s32 $0xFFFFFEF7, lr;
	s5 =	simm.s32 $0xFFFFFFFF;
	p2 =	slt.u32 s8, $0xFFFFF086  }
0x1c: {  	p1 =	slt.u32 s9, $0xF7A;
	s5 =	simm.s32 @!p2 $0x0  }
0x1d: {  	s5 =	simm.s32 @p1 $0x1;
	p0 =	seq.s32 s7, s2  }
0x1e: {  	s7 =	smul.u32 @!p0 $0xF7A, s2;
	p2 =	seq.s32 @!p0 s5, $0x0  }
0x1f: {  	s9 =	smul.u32 $0xF7A, s1;
	s8 =	simm.s32 @!p0 $0x1BF5;
	p2 =	por !p2, p0  }
0x20: {  	[sflag:s8] =	ssyncset.s32 @!p0 $0xFFFFF086;
	s6 =	sadd.s32 @!p0 s3, s7;
	s7 =	simm.s32 @!p0 $0x108  }
0x21: {  	s3 =	sadd.s32 s3, s9;
	s6 =	sadd.s32 @!p0 $0x88, s6;
	s7 =	simm.s32 @p2 $0x1082  }
0x22: {  	[simem:s7], [sflag:s8] =	dma.local @!p0 [hbm:s6], $0xF7A  }
0x23: {  	s9 =	sor.u32 $0xD0000000, s2;
	s6 =	simm.s32 $0x108;
	_ =	swait.ge @!p0 [sflag:s8], $0x0  }
0x24: {  	s3 =	sadd.s32 $0x88, s3;
	s6 =	simm.s32 @!p1 $0x1082;
	[sflag:s4] =	ssyncset.s32 $0xFFFFF086  }
0x25: {  	[simem:s6], [sflag:s4] =	dma.local [hbm:s3], $0xF7A  }
0x26: {  	[smem:$0x3F9C] =	sst s1;
	(tag) =	ssettag s2;
	_ =	strace s9  }
0x27: {  	s1 =	sld [smem:$0x3FAC]  }
0x28: {  	s2 =	sld [smem:$0x3FAD]  }
0x29: {  	s4 =	sld [smem:$0x3FAF]  }
0x2a: {  	p0 =	seq.s32 s5, $0x0;
	s5 =	sld [smem:$0x3FB0]  }
0x2b: {  	s6 =	sld [smem:$0x3FB1]  }
0x2c: {  	s7 =	sld [smem:$0x3FB2]  }
0x2d: {  	s3 =	simm.s32 $0x108;
	s8 =	sld [smem:$0x3FB3]  }
0x2e: {  	s3 =	simm.s32 @!p0 $0x1082;
	s9 =	sld [smem:$0x3FB4]  }
0x2f: {  	lr =	sadd.s32 s0, s3;
	s0 =	sld [smem:$0x3FAB]  }
0x30: {  	s3 =	sld [smem:$0x3FAE]  }
0x31: {  	[smem:$0x3FB7] =	sst s10  }
0x32: {  	s10 =	sld [smem:$0x3FB5];
	_ =	sdelay $0x3  }
0x33: {  	p0 =	seq.s32 s10, $0x1;
	s10 =	sld [smem:$0x3FB7];
	_ =	sdelay $0x3  }
0x34: {  	[smem:$0x3FB7] =	sst s10  }
0x35: {  	s10 =	sld [smem:$0x3FB6];
	_ =	sdelay $0x3  }
0x36: {  	p1 =	seq.s32 s10, $0x1;
	s10 =	sld [smem:$0x3FB7];
	_ =	sdelay $0x3  }
0x37: {  	[smem:$0x3FB7] =	sst s10  }
0x38: {  	s10 =	sld [smem:$0x3FB8]  }
0x39: {  	_ = 	snop;
	(pc) =	sbr.ind lr, $3  }
0x3a: {  	_ = 	snop  }
0x3b: {  	_ = 	snop  }
0x3c: {  	p2 =	seq.s32 s10, $0x1;
	s10 =	sld [smem:$0x3FB7]  }
0x3d: {  	_ =	shalt  }
0x3e: {  	_ =	shalt  }
0x3f: {  	_ =	shalt  }
0x40: {  	_ =	shalt  }
0x41: {  	_ =	shalt  }
0x42: {  	_ =	shalt  }
0x43: {  	_ =	shalt  }
0x44: {  	_ =	shalt  }
0x45: {  	_ =	shalt  }
0x46: {  	_ =	shalt  }
0x47: {  	_ =	shalt  }
0x48: {  	_ =	shalt  }
0x49: {  	_ =	shalt  }
0x4a: {  	_ =	shalt  }
0x4b: {  	_ =	shalt  }
0x4c: {  	_ =	shalt  }
0x4d: {  	_ =	shalt  }
0x4e: {  	_ =	shalt  }
0x4f: {  	_ =	shalt  }
0x50: {  	_ =	shalt  }
0x51: {  	_ =	shalt  }
0x52: {  	_ =	shalt  }
0x53: {  	_ =	shalt  }
0x54: {  	_ =	shalt  }
0x55: {  	_ =	shalt  }
0x56: {  	_ =	shalt  }
0x57: {  	_ =	shalt  }
0x58: {  	_ =	shalt  }
0x59: {  	_ =	shalt  }
0x5a: {  	_ =	shalt  }
0x5b: {  	_ =	shalt  }
0x5c: {  	_ =	shalt  }
0x5d: {  	_ =	shalt  }
0x5e: {  	_ =	shalt  }
0x5f: {  	_ =	shalt  }
0x60: {  	_ =	shalt  }
0x61: {  	_ =	shalt  }
0x62: {  	_ =	shalt  }
0x63: {  	_ =	shalt  }
0x64: {  	_ =	shalt  }
0x65: {  	_ =	shalt  }
0x66: {  	_ =	shalt  }
0x67: {  	_ =	shalt  }
0x68: {  	_ =	shalt  }
0x69: {  	_ =	shalt  }
0x6a: {  	_ =	shalt  }
0x6b: {  	_ =	shalt  }
0x6c: {  	_ =	shalt  }
0x6d: {  	_ =	shalt  }
0x6e: {  	_ =	shalt  }
0x6f: {  	_ =	shalt  }
0x70: {  	_ =	shalt  }
0x71: {  	_ =	shalt  }
0x72: {  	_ =	shalt  }
0x73: {  	_ =	shalt  }
0x74: {  	_ =	shalt  }
0x75: {  	_ =	shalt  }
0x76: {  	_ =	shalt  }
0x77: {  	_ =	shalt  }
0x78: {  	_ =	shalt  }
0x79: {  	_ =	shalt  }
0x7a: {  	_ =	shalt  }
0x7b: {  	_ =	shalt  }
0x7c: {  	_ =	shalt  }
0x7d: {  	_ =	shalt  }
0x7e: {  	_ =	shalt  }
0x7f: {  	_ =	shalt  }
0x80: {  	_ =	shalt  }
0x81: {  	_ =	shalt  }
0x82: {  	_ =	shalt  }
0x83: {  	_ =	shalt  }
0x84: {  	_ =	shalt  }
0x85: {  	_ =	shalt  }
0x86: {  	_ =	shalt  }
0x87: {  	_ =	shalt  }
.Lfunc_end0:
.L_simem_size_0:
called_computation_lowered:
.L_overlay_start_0:
0x88: {  	s2 =	sld [smem:$0x3FD9]  }
0x89: {  	s3 =	sld [smem:$0x3FFE];
	_ =	sdelay $0x1  }
0x8a: {  	s1 =	srdreg.scid  }
0x8b: {  	s0 =	sand.u32 $0x1, s1  }
0x8c: {  	s17 =	sshll.u32 s0, $0xA;
	s2 =	sadd.s32 s3, s2  }
0x8d: {  	s2 =	sadd.s32 s2, s17  }
0x8e: {  	[smem:$0x3FC3] =	sst s2  }
0x8f: {  	_ = 	snop  }
0x90: {  	s2 =	sld [smem:$0x3FC9]  }
0x91: {  	s18 =	sld [smem:$0x3FC8]  }
0x92: {  	s4 =	sld [smem:$0x3FC7]  }
0x93: {  	s5 =	sld [smem:$0x3FD0];
	(tm) =	ssettm $0x1  }
0x94: {  	s6 =	sld [smem:$0x3FFB];
	_ =	sdelay $0x3  }
0x95: {  	_ =	strace s6  }
0x96: {  	s6 =	sld [smem:$0x3FFC];
	_ =	sdelay $0x3  }
0x97: {  	_ =	strace s6  }
0x98: {  	s6 =	sld [smem:$0x3FFD];
	_ =	sdelay $0x3  }
0x99: {  	_ =	strace s6  }
0x9a: {  	_ =	strace $0x8FFFFFFF  }
0x9b: {  	s19 =	sld [smem:$0x3FDB];
	_ =	sdelay $0x1  }
0x9c: {  	s7 =	simm.s32 $_scs_section_size  }
0x9d: {  	s8 =	simm.s32 $_size__tile_overlayer_lowered;
	s9 =	simm.s32 $_tile_overlayer_lowered  }
0x9e: {  	s22 =	simm.s32 $0x1BFF;
	s21 =	sshll.u32 s9, $0x1;
	s6 =	sadd.s32 s7, s19  }
0x9f: {  	s10 =	simm.s32 $0x0;
	s20 =	sshll.u32 s8, $0x1;
	s8 =	sadd.s32 s21, s6  }
0xa0: {  	[timem:s10], [sflag:s22] =	dma.local [hbm:s8], s20  }
0xa1: {  	_ =	swait.ge [sflag:s22], s20  }
0xa2: {  	s7 =	ssub.s32 $0x0, s20;
	[sflag:s22] =	ssyncset.done $0x0  }
0xa3: {  	[sflag:s22] =	ssyncadd.s32 s7;
	_ =	sdelay $0x1  }
0xa4: {  	s23 =	simm.s32 $0x1B8B  }
0xa5: {  	_ =	swait.ge [sflag:s23], $0x1  }
0xa6: {  	[sflag:s23] =	ssyncset.done $0x0  }
0xa7: {  	s25 =	simm.s32 $0x1B8E;
	s24 =	sld [smem:$0x3FFE];
	[sflag:s23] =	ssyncadd.s32 $0xFFFFFFFF  }
0xa8: {  	s26 =	simm.s32 $execute0_lowered;
	[smem:$0x3FD2] =	sst s25  }
0xa9: {  	s8 =	sshll.u32 s26, $0x1;
	_ =	strace $0x80000046;
	[dreg:$0x1] =	wrdreg $0xFFFFFFFF  }
0xaa: {  	s28 =	simm.s32 $_size_execute0_lowered;
	s6 =	sadd.s32 s6, s8;
	[dreg:$0x0] =	wrdreg $0x0  }
0xab: {  	s8 =	sshll.u32 s28, $0x1;
	[dreg:$0x2] =	wrdreg s6  }
0xac: {  	[dreg:$0x3] =	wrdreg s8  }
0xad: {  	[dreg:$0x4] =	wrdreg $0xC0  }
0xae: {  	_ =	task [dreg:s10], $0x5FFFF  }
0xaf: {  	[dreg:$0x1] =	wrdreg $0xFFFFFFFF  }
0xb0: {  	[dreg:$0x0] =	wrdreg $0x60  }
0xb1: {  	[dreg:$0x2] =	wrdreg s2  }
0xb2: {  	[dreg:$0x3] =	wrdreg s18  }
0xb3: {  	[dreg:$0x4] =	wrdreg s4  }
0xb4: {  	[dreg:$0x5] =	wrdreg s24  }
0xb5: {  	[dreg:$0x6] =	wrdreg s5  }
0xb6: {  	[dreg:$0x7] =	wrdreg $0x188000  }
0xb7: {  	[dreg:$0x8] =	wrdreg $0x9  }
0xb8: {  	_ =	task.clear_ibuf [dreg:s10], $0x9FFFF;
	_ =	strace $0x90000046  }
0xb9: {  	s29 =	simm.s32 $0x9;
	_ =	strace $0x80000048  }
0xba: {  	_ =	swait.ge [sflag:s29], $0x1  }
0xbb: {  	[sflag:s29] =	ssyncadd.s32 $0xFFFFFFFF  }
0xbc: {  	_ =	strace $0x90000048  }
0xbd: {  	_ =	sfence  }
0xbe: {  	s30 =	sld [smem:$0x0];
	_ =	sdelay $0x2  }
0xbf: {  	s31 =	sshll.u32 s1, $0xD;
	s1 =	sshrl.u32 s1, $0x2  }
0xc0: {  	s3 =	sand.u32 $0x4000, s31;
	s1 =	sadd.s32 s1, s30  }
0xc1: {  	s0 =	sor.u32 s3, s0;
	s1 =	sshll.u32 s1, $0x11  }
0xc2: {  	s0 =	sor.u32 s1, s0  }
0xc3: {  	s0 =	sadd.s32 $0x8F2B, s0  }
0xc4: {  	[sflag:s0] =	ssyncadd.remote.s32 $0x1  }
0xc5: {  	_ =	sfence.sel $0xFFFF  }
0xc6: {  	[dreg:$0x0] =	wrdreg $0xFFFFFFFF;
	(pc) =	sbr.abs _section_cstart, $3  }
0xc7: {  	[dreg:$0x1] =	wrdreg $0xFFFFFFFF  }
0xc8: {  	_ =	task.clear_ibuf [dreg:s10], $0x2FFFF;
	_ =	strace $0x9FFFFFFF  }
0xc9: {  	(tm) =	ssettm $0x7FFFFFFF  }
tec
execute0_lowered:
.L_overlay_start_1:
0x0: {  	(tag) =	ssettag $0x1  }
0x1: {  	s1 =	rddreg [dreg:$0x0]  }
0x2: {  	s4 =	rddreg [dreg:$0x1]  }
0x3: {  	s0 =	rddreg [dreg:$0x2]  }
0x4: {  	s2 =	srdreg.scid;
	s5 =	rddreg [dreg:$0x3]  }
0x5: {  	s7 =	stileid.u32;
	s8 =	rddreg [dreg:$0x4];
	s9 =	simm.s32 $0x1  }
0x6: {  	s28 =	simm.s32 $0x2;
	s14 =	simm.s32 $0x7;
	s6 =	sand.u32 $0x1, s2  }
0x7: {  	s15 =	simm.s32 $0x10;
	s2 =	rddreg [dreg:$0x5];
	s3 =	sor.u32 s6, s7  }
0x8: {  	p1 =	seq.s32 s6, $0x1;
	s10 =	ssub.s32 $0x2, s6;
	s11 =	sshll.u32 s6, $0xE  }
0x9: {  	s18 =	sshll.u32 s6, $0xD;
	s6 =	sshll.u32 s6, $0x11;
	p0 =	seq.s32 s3, $0x0  }
0xa: {  	s3 =	simm.s32 $0x0;
	s12 =	sshrl.u32 s10, $0x1;
	s5 =	sadd.s32 s11, s5  }
0xb: {  	p0 =	por !p0, !p1;
	[smem:$0x7FF] =	sst s3;
	s10 =	ssub.s32 s10, s12  }
0xc: {  	s17 =	sadd.s32 $0xA00, s5;
	s5 =	sadd.s32 $0x8A00, s5;
	s12 =	simm.s32 $0x5  }
0xd: {  	p0 =	por !p0, !p0;
	_ =	strace $0x80000047;
	[dreg:$0x7] =	wrdreg s17  }
0xe: {  	[dreg:$0x8] =	wrdreg s5;
	s31 =	smax.u32 s10, $0x1;
	s5 =	simm.s32 $0x3  }
0xf: {  	s10 =	simm.s32 $0xF;
	s17 =	simm.s32 $0x12;
	s9 =	simm.s32 @!p0 $0x0  }
0x10: {  	p0 =	sne.s32 s7, $0x0;
	[dreg:$0x13] =	wrdreg s31;
	s9 =	ssub.s32 s7, s9  }
0x11: {  	s7 =	simm.s32 $0xE;
	s16 =	sshll.u32 s9, $0xB;
	s13 =	sshll.u32 s9, $0x7  }
0x12: {  	s9 =	sshll.u32 s9, $0x12;
	s11 =	sand.u32 $0xFFFFC000, s16;
	s19 =	sand.u32 $0x380, s13  }
0x13: {  	s6 =	sor.u32 s6, s9;
	s9 =	sadd.s32 $0x20000, s2;
	s13 =	simm.s32 $0x6  }
0x14: {  	s16 =	simm.s32 $0x11;
	s11 =	sor.u32 s18, s11;
	s6 =	sshrl.u32 s6, $0x3  }
0x15: {  	s18 =	simm.s32 $0x13;
	s11 =	sor.u32 s19, s11;
	s6 =	sadd.s32 s8, s6  }
0x16: {  	s19 =	simm.s32 $0x80;
	s22 =	sadd.s32 $0x800, s6;
	[dreg:$0x9] =	wrdreg s6  }
0x17: {  	s8 =	simm.s32 $0xC;
	s23 =	sadd.s32 $0x1000, s6;
	[dreg:$0xc] =	wrdreg s22  }
0x18: {  	s20 =	sshrl.u32 s11, $0x3;
	s24 =	sadd.s32 $0x1800, s6;
	[dreg:$0xd] =	wrdreg s23  }
0x19: {  	s25 =	sadd.s32 $0x2000, s6;
	s26 =	sadd.s32 $0x2800, s6;
	[dreg:$0xe] =	wrdreg s24  }
0x1a: {  	s29 =	sadd.s32 $0x3000, s6;
	s30 =	sadd.s32 $0x3800, s6;
	[dreg:$0xf] =	wrdreg s25  }
0x1b: {  	s11 =	simm.s32 $0xD;
	s6 =	simm.s32 $0x0;
	[dreg:$0x10] =	wrdreg s26  }
0x1c: {  	s1 =	sadd.s32 s1, s20;
	s21 =	sadd.s32 s4, s20;
	[dreg:$0x11] =	wrdreg s29  }
0x1d: {  	[dreg:$0x12] =	wrdreg s30;
	s20 =	simm.s32 $0x14;
	s22 =	simm.s32 $0x4800  }
0x1e: {  	s23 =	simm.s32 $0x400;
	s25 =	simm.s32 $0x9;
	[dreg:$0xa] =	wrdreg s1  }
0x1f: {  	s4 =	simm.s32 $0xB;
	[dreg:$0xb] =	wrdreg s21;
	s1 =	sshrl.u32 @!p0 s2, $0x3  }
0x20: {  	s21 =	simm.s32 $0x800;
	[dreg:$0x14] =	wrdreg s1;
	s1 =	sshrl.u32 @!p0 s9, $0x3  }
0x21: {  	v0 =	vlaneseq.u32;
	s9 =	simm.s32 $0x4;
	[dreg:$0x15] =	wrdreg s1;
	s1 =	simm.s32 $0x8  }
.LBB2_1:
0x22: {  	s26 =	rddreg [dreg:$0x7]  }
0x23: {  	s24 =	simm.s32 @!p0 $0x1C01;
	s29 =	rddreg [dreg:$0x14]  }
0x24: {  	[spmem:s29], [sflag:s24] =	dma.local @!p0 [hbm:s26], $0x4000  }
0x25: {  	s26 =	rddreg [dreg:$0x8]  }
0x26: {  	s29 =	rddreg [dreg:$0x15]  }
0x27: {  	[spmem:s29], [sflag:s24] =	dma.local @!p0 [hbm:s26], $0x4000  }
0x28: {  	s24 =	rddreg [dreg:$0xa]  }
0x29: {  	[tilespmem:s3], [sflag:$0x14] =	stream.strided.gather [hbm4b:s24+s19], $0x400, s23, s19, $0x38;
	[tilespmem:$0x1C800] =	vst v63  }
0x2a: {  	_ =	swait.ge [sflag:s20], $0x400  }
0x2b: {  	[sflag:s20] =	ssyncset.done $0x0  }
0x2c: {  	[sflag:s20] =	ssyncadd.s32 $0xFFFFFC00  }
0x2d: {  	[tilespmem:s21], [sflag:$0x8] =	stream.indirect.gather [hbm4b:s0+s19], $0x80, s3, s19, $0xb8;
	[tilespmem:$0x1C800] =	vst v63  }
0x2e: {  	_ = 	snop  }
0x2f: {  	[tilespmem:s22], [sflag:$0x9] =	stream.indirect.gather [hbm4b:s0+s19], $0x80, s19, s19, $0xb8;
	[tilespmem:$0x1C800] =	vst v63  }
0x30: {  	s31 =	simm.s32 $0x8800;
	s26 =	simm.s32 $0x100  }
0x31: {  	[tilespmem:s31], [sflag:$0xA] =	stream.indirect.gather [hbm4b:s0+s19], $0x80, s26, s19, $0xb8;
	[tilespmem:$0x1C800] =	vst v63  }
0x32: {  	s31 =	simm.s32 $0xC800;
	s26 =	simm.s32 $0x180  }
0x33: {  	[tilespmem:s31], [sflag:$0xB] =	stream.indirect.gather [hbm4b:s0+s19], $0x80, s26, s19, $0xb8;
	[tilespmem:$0x1C800] =	vst v63  }
0x34: {  	s30 =	simm.s32 $0x10800;
	s26 =	simm.s32 $0x200  }
0x35: {  	[tilespmem:s30], [sflag:$0xC] =	stream.indirect.gather [hbm4b:s0+s19], $0x80, s26, s19, $0xb8;
	[tilespmem:$0x1C800] =	vst v63  }
0x36: {  	s30 =	simm.s32 $0x14800;
	s26 =	simm.s32 $0x280  }
0x37: {  	[tilespmem:s30], [sflag:$0xD] =	stream.indirect.gather [hbm4b:s0+s19], $0x80, s26, s19, $0xb8;
	[tilespmem:$0x1C800] =	vst v63  }
0x38: {  	s26 =	rddreg [dreg:$0xb]  }
0x39: {  	[tilespmem:s23], [sflag:$0x14] =	stream.strided.gather [hbm4b:s26+s19], $0x400, s23, s19, $0x38;
	[tilespmem:$0x1C800] =	vst v63  }
0x3a: {  	_ =	swait.ge [sflag:s20], $0x400  }
0x3b: {  	[sflag:s20] =	ssyncset.done $0x0  }
0x3c: {  	[sflag:s20] =	ssyncadd.s32 $0xFFFFFC00  }
0x3d: {  	s29 =	simm.s32 $0x10;
	s24 =	simm.s32 $0x400;
	s26 =	simm.s32 $0x0;
	v1 =	vld [tilespmem:s23+$0x0]  }
.LBB2_2:
0x3e: {  	p1 =	sne.s32 s29, $0x3F0;
	_ =	sdelay $0x3  }
.Ltmp0:
0x3f: {  	v1 =	vshll.u32 v1, $0xA;
	(pc) =	sbr.rel @p1 .LBB2_2-.Ltmp0, $4  }
0x40: {  	v1 =	vadd.s32 s26, v1;
	s26 =	smov.u32 s29  }
0x41: {  	v1 =	vadd.s32 v0, v1  }
0x42: {  	[tilespmem:s24+$0x0] =	vst v1;
	s24 =	sadd.s32 $0x10, s24  }
0x43: {  	s29 =	sadd.s32 $0x10, s29;
	v1 =	vld [tilespmem:s24+$0x0]  }
0x44: {  	_ =	sdelay $0x3  }
0x45: {  	v1 =	vshll.u32 v1, $0xA  }
0x46: {  	v1 =	vadd.s32 s26, v1  }
0x47: {  	v1 =	vadd.s32 v0, v1  }
0x48: {  	[tilespmem:s24+$0x0] =	vst v1;
	s24 =	simm.s32 @!p0 $0x1  }
0x49: {  	_ =	swait.ge @!p0 [sflag:s24], $0x4000  }
0x4a: {  	[sflag:s24] =	ssyncset.done @!p0 $0x0  }
0x4b: {  	[sflag:s24] =	ssyncadd.s32 @!p0 $0xFFFFC000  }
0x4c: {  	_ =	swait.ge @!p0 [sflag:s24], $0x4000  }
0x4d: {  	[sflag:s24] =	ssyncset.done @!p0 $0x0  }
0x4e: {  	[sflag:s24] =	ssyncadd.s32 @!p0 $0xFFFFC000  }
0x4f: {  	[bflag:$0x0] =	sbarrier.arrive $0xFFFF  }
0x50: {  	_ =	swait.ge [sflag:s1], $0x4000  }
0x51: {  	[sflag:s1] =	ssyncset.done $0x0  }
0x52: {  	[sflag:s1] =	ssyncadd.s32 $0xFFFFC000  }
0x53: {  	[tilespmem:s21], [sflag:$0x2] =	stream.indirect.gather.add.f32 [spmem:s2], $0x80, s23, s19, $0xb8;
	[tilespmem:$0x1C800] =	vst v63  }
0x54: {  	_ =	swait.ge [sflag:s25], $0x4000  }
0x55: {  	[sflag:s25] =	ssyncset.done $0x0  }
0x56: {  	s29 =	simm.s32 $0x480;
	s26 =	simm.s32 $0xA;
	[sflag:s25] =	ssyncadd.s32 $0xFFFFC000  }
0x57: {  	[tilespmem:s22], [sflag:$0x3] =	stream.indirect.gather.add.f32 [spmem:s2], $0x80, s29, s19, $0xb8;
	[tilespmem:$0x1C800] =	vst v63  }
0x58: {  	_ =	swait.ge [sflag:s26], $0x4000  }
0x59: {  	[sflag:s26] =	ssyncset.done $0x0  }
0x5a: {  	s29 =	simm.s32 $0x500;
	[sflag:s26] =	ssyncadd.s32 $0xFFFFC000;
	s26 =	simm.s32 $0x8800  }
0x5b: {  	[tilespmem:s26], [sflag:$0x4] =	stream.indirect.gather.add.f32 [spmem:s2], $0x80, s29, s19, $0xb8;
	[tilespmem:$0x1C800] =	vst v63  }
0x5c: {  	_ =	swait.ge [sflag:s28], $0x4000  }
0x5d: {  	[sflag:s28] =	ssyncset.done $0x0  }
0x5e: {  	s29 =	rddreg [dreg:$0x9];
	[sflag:s28] =	ssyncadd.s32 $0xFFFFC000  }
0x5f: {  	[hbm4b:s29+s3] =	stream.linear.scatter [tilespmem:s21], [sflag:$0xE], $0x4000, $0x38;
	[tilespmem:$0x1C800] =	vst v63  }
0x60: {  	_ =	swait.ge [sflag:s4], $0x4000  }
0x61: {  	[sflag:s4] =	ssyncset.done $0x0  }
0x62: {  	s29 =	simm.s32 $0x580;
	[sflag:s4] =	ssyncadd.s32 $0xFFFFC000  }
0x63: {  	[tilespmem:s31], [sflag:$0x5] =	stream.indirect.gather.add.f32 [spmem:s2], $0x80, s29, s19, $0xb8;
	[tilespmem:$0x1C800] =	vst v63  }
0x64: {  	_ =	swait.ge [sflag:s5], $0x4000  }
0x65: {  	[sflag:s5] =	ssyncset.done $0x0  }
0x66: {  	s29 =	rddreg [dreg:$0xc];
	[sflag:s5] =	ssyncadd.s32 $0xFFFFC000  }
0x67: {  	[hbm4b:s29+s3] =	stream.linear.scatter [tilespmem:s22], [sflag:$0xF], $0x4000, $0x38;
	[tilespmem:$0x1C800] =	vst v63  }
0x68: {  	_ =	swait.ge [sflag:s7], $0x4000  }
0x69: {  	[sflag:s7] =	ssyncset.done $0x0  }
0x6a: {  	s29 =	simm.s32 $0x300;
	[sflag:s7] =	ssyncadd.s32 $0xFFFFC000  }
0x6b: {  	[tilespmem:s21], [sflag:$0x8] =	stream.indirect.gather [hbm4b:s0+s19], $0x80, s29, s19, $0xb8;
	[tilespmem:$0x1C800] =	vst v63  }
0x6c: {  	_ =	swait.ge [sflag:s8], $0x4000  }
0x6d: {  	[sflag:s8] =	ssyncset.done $0x0  }
0x6e: {  	s24 =	simm.s32 $0x600;
	s29 =	simm.s32 $0x10800;
	[sflag:s8] =	ssyncadd.s32 $0xFFFFC000  }
0x6f: {  	[tilespmem:s29], [sflag:$0x6] =	stream.indirect.gather.add.f32 [spmem:s2], $0x80, s24, s19, $0xb8;
	[tilespmem:$0x1C800] =	vst v63  }
0x70: {  	_ =	swait.ge [sflag:s9], $0x4000  }
0x71: {  	[sflag:s9] =	ssyncset.done $0x0  }
0x72: {  	s24 =	rddreg [dreg:$0xd];
	[sflag:s9] =	ssyncadd.s32 $0xFFFFC000  }
0x73: {  	[hbm4b:s24+s3] =	stream.linear.scatter [tilespmem:s26], [sflag:$0x10], $0x4000, $0x38;
	[tilespmem:$0x1C800] =	vst v63  }
0x74: {  	_ =	swait.ge [sflag:s10], $0x4000  }
0x75: {  	[sflag:s10] =	ssyncset.done $0x0  }
0x76: {  	s26 =	simm.s32 $0x380;
	[sflag:s10] =	ssyncadd.s32 $0xFFFFC000  }
0x77: {  	[tilespmem:s22], [sflag:$0x9] =	stream.indirect.gather [hbm4b:s0+s19], $0x80, s26, s19, $0xb8;
	[tilespmem:$0x1C800] =	vst v63  }
0x78: {  	_ =	swait.ge [sflag:s11], $0x4000  }
0x79: {  	[sflag:s11] =	ssyncset.done $0x0  }
0x7a: {  	s26 =	simm.s32 $0x680;
	[sflag:s11] =	ssyncadd.s32 $0xFFFFC000  }
0x7b: {  	[tilespmem:s30], [sflag:$0x7] =	stream.indirect.gather.add.f32 [spmem:s2], $0x80, s26, s19, $0xb8;
	[tilespmem:$0x1C800] =	vst v63  }
0x7c: {  	_ =	swait.ge [sflag:s12], $0x4000  }
0x7d: {  	[sflag:s12] =	ssyncset.done $0x0  }
0x7e: {  	s26 =	rddreg [dreg:$0xe];
	[sflag:s12] =	ssyncadd.s32 $0xFFFFC000  }
0x7f: {  	[hbm4b:s26+s3] =	stream.linear.scatter [tilespmem:s31], [sflag:$0x11], $0x4000, $0x38;
	[tilespmem:$0x1C800] =	vst v63  }
0x80: {  	_ =	swait.ge [sflag:s1], $0x4000  }
0x81: {  	[sflag:s1] =	ssyncset.done $0x0  }
0x82: {  	s31 =	simm.s32 $0x700;
	[sflag:s1] =	ssyncadd.s32 $0xFFFFC000  }
0x83: {  	[tilespmem:s21], [sflag:$0x2] =	stream.indirect.gather.add.f32 [spmem:s2], $0x80, s31, s19, $0xb8;
	[tilespmem:$0x1C800] =	vst v63  }
0x84: {  	_ =	swait.ge [sflag:s13], $0x4000  }
0x85: {  	[sflag:s13] =	ssyncset.done $0x0  }
0x86: {  	s26 =	rddreg [dreg:$0xf];
	[sflag:s13] =	ssyncadd.s32 $0xFFFFC000  }
0x87: {  	[hbm4b:s26+s3] =	stream.linear.scatter [tilespmem:s29], [sflag:$0x12], $0x4000, $0x38;
	[tilespmem:$0x1C800] =	vst v63  }
0x88: {  	_ =	swait.ge [sflag:s25], $0x4000  }
0x89: {  	[sflag:s25] =	ssyncset.done $0x0  }
0x8a: {  	s31 =	simm.s32 $0x780;
	[sflag:s25] =	ssyncadd.s32 $0xFFFFC000  }
0x8b: {  	[tilespmem:s22], [sflag:$0x3] =	stream.indirect.gather.add.f32 [spmem:s2], $0x80, s31, s19, $0xb8;
	[tilespmem:$0x1C800] =	vst v63  }
0x8c: {  	_ =	swait.ge [sflag:s14], $0x4000  }
0x8d: {  	[sflag:s14] =	ssyncset.done $0x0  }
0x8e: {  	s26 =	rddreg [dreg:$0x10];
	[sflag:s14] =	ssyncadd.s32 $0xFFFFC000  }
0x8f: {  	[hbm4b:s26+s3] =	stream.linear.scatter [tilespmem:s30], [sflag:$0x13], $0x4000, $0x38;
	[tilespmem:$0x1C800] =	vst v63  }
0x90: {  	_ =	swait.ge [sflag:s28], $0x4000  }
0x91: {  	[sflag:s28] =	ssyncset.done $0x0  }
0x92: {  	s29 =	rddreg [dreg:$0x11];
	[sflag:s28] =	ssyncadd.s32 $0xFFFFC000  }
0x93: {  	[hbm4b:s29+s3] =	stream.linear.scatter [tilespmem:s21], [sflag:$0xE], $0x4000, $0x38;
	[tilespmem:$0x1C800] =	vst v63  }
0x94: {  	_ =	swait.ge [sflag:s5], $0x4000  }
0x95: {  	[sflag:s5] =	ssyncset.done $0x0  }
0x96: {  	s30 =	rddreg [dreg:$0x12];
	[sflag:s5] =	ssyncadd.s32 $0xFFFFC000  }
0x97: {  	[hbm4b:s30+s3] =	stream.linear.scatter [tilespmem:s22], [sflag:$0xF], $0x4000, $0x38;
	[tilespmem:$0x1C800] =	vst v63  }
0x98: {  	_ =	swait.ge [sflag:s15], $0x4000  }
0x99: {  	[sflag:s15] =	ssyncset.done $0x0  }
0x9a: {  	[sflag:s15] =	ssyncadd.s32 $0xFFFFC000  }
0x9b: {  	_ =	swait.ge [sflag:s16], $0x4000  }
0x9c: {  	[sflag:s16] =	ssyncset.done $0x0  }
0x9d: {  	[sflag:s16] =	ssyncadd.s32 $0xFFFFC000  }
0x9e: {  	_ =	swait.ge [sflag:s17], $0x4000  }
0x9f: {  	[sflag:s17] =	ssyncset.done $0x0  }
0xa0: {  	[sflag:s17] =	ssyncadd.s32 $0xFFFFC000  }
0xa1: {  	_ =	swait.ge [sflag:s18], $0x4000  }
0xa2: {  	[sflag:s18] =	ssyncset.done $0x0  }
0xa3: {  	[sflag:s18] =	ssyncadd.s32 $0xFFFFC000  }
0xa4: {  	_ =	swait.ge [sflag:s7], $0x4000  }
0xa5: {  	[sflag:s7] =	ssyncset.done $0x0  }
0xa6: {  	[sflag:s7] =	ssyncadd.s32 $0xFFFFC000  }
0xa7: {  	_ =	swait.ge [sflag:s10], $0x4000  }
0xa8: {  	s6 =	sadd.s32 $0x1, s6;
	s31 =	rddreg [dreg:$0x13]  }
0xa9: {  	p1 =	sne.s32 s6, s31  }
.Ltmp1:
0xaa: {  	_ = 	snop;
	(pc) =	sbr.rel @p1 .LBB2_1-.Ltmp1, $3  }
0xab: {  	_ =	sdelay $0x1  }
0xac: {  	[sflag:s10] =	ssyncset.done $0x0  }
0xad: {  	[sflag:s10] =	ssyncadd.s32 $0xFFFFC000  }
0xae: {  	_ =	sfence.sel $0x180000  }
0xaf: {  	[bflag:$0x0] =	sbarrier.arrive $0xFFFF  }
0xb0: {  	_ =	strace $0x90000047  }
0xb1: {  	[bflag:$0x2] =	sbarrier.arrive $0xFFFF  }
0xb2: {  	s0 =	rddreg [dreg:$0x6]  }
0xb3: {  	s0 =	sadd.s32 @!p0 $0x100000, s0  }
0xb4: {  	[sflag:s0] =	ssyncadd.tile.s32 @!p0 $0x1;
	_ =	shalt  }
.Lfunc_end2:
_tile_overlayer_lowered:
.L_overlay_start_2:
0xb5: {  	(tag) =	ssettag $0x2  }
0xb6: {  	s0 =	rddreg [dreg:$0x0];
	s2 =	stileid.u32  }
0xb7: {  	s1 =	rddreg [dreg:$0x1];
	p0 =	sne.s32 s2, $0x0  }
0xb8: {  	s3 =	rddreg [dreg:$0x2];
	[bflag:$0x3] =	sbarrier.arrive $0xFFFF;
	s2 =	simm.s32 @!p0 $0x1C14  }
0xb9: {  	[timem:s3], [sflag:s2] =	dma.local @!p0 [hbm:s0], s1  }
0xba: {  	s0 =	simm.s32 @!p0 $0x14  }
0xbb: {  	_ =	swait.ge @!p0 [sflag:s0], s1  }
0xbc: {  	s1 =	ssub.s32 @!p0 $0x0, s1;
	[sflag:s0] =	ssyncset.done @!p0 $0x0  }
0xbd: {  	[sflag:s0] =	ssyncadd.s32 @!p0 s1  }
0xbe: {  	[bflag:$0x3] =	sbarrier.arrive $0xFFFF  }
0xbf: {  	_ =	shalt  }

</sc_bundles>
